<compile_context>
chip_gen: v7x
topology: tpu7x:2x2x1
jax: 0.10.2.dev20260603
libtpu: 0.0.44.dev20260713+nightly
codegen_flags: <defaults>
</compile_context>

<pallas_src>
import functools
import math

import numpy as np
import jax
import jax.numpy as jnp
from jax.experimental import pallas as pl

N = 200
ND = 64
ED = 128
HID = 128
NL = 8
R = 8
_PREC = jax.lax.Precision.DEFAULT


def _bf(v):
    return v.astype(jnp.bfloat16).astype(jnp.float32)


def _silu(v):
    return v * jax.nn.sigmoid(v)


def _lnorm(v, g, b):
    k = v.shape[-1]
    m = (jnp.sum(v.T, axis=0, keepdims=True).T / k)
    c = v - m
    var = (jnp.sum((c * c).T, axis=0, keepdims=True).T / k)
    return c / jnp.sqrt(var + 1e-5) * g + b


def _dot(a, b):
    return jax.lax.dot_general(a, b, (((a.ndim - 1,), (0,)), ((), ())),
                               precision=_PREC,
                               preferred_element_type=jnp.float32)


def _egnn_body(first, last, refs):
    it = iter(refs)
    nxt = lambda: next(it)
    x_r = nxt()
    xT = nxt()
    if first:
        x_f = nxt()
        ef = nxt()
    else:
        h_r = nxt()
        h_f = nxt()
        e_in = nxt()
    te = nxt()
    if first:
        wne0, wne1, bne = nxt(), nxt(), nxt()
        wee, bee = nxt(), nxt()
    w1, b1 = nxt(), nxt()
    mg, mb, w2, b2, w3, b3 = nxt(), nxt(), nxt(), nxt(), nxt(), nxt()
    if not last:
        cw1w, cb1, cw2 = nxt(), nxt(), nxt()
        n1, nb1, ng, ngb, n2, nb2, nng, nnb = (nxt(), nxt(), nxt(), nxt(),
                                               nxt(), nxt(), nxt(), nxt())
    e1w, eb1, eg, egb, e2w, eb2, eng, enb = (nxt(), nxt(), nxt(), nxt(), nxt(),
                                             nxt(), nxt(), nxt())
    if last:
        og1, ob1, wo1, bo1, og2, ob2, wo2, bo2, wo3, bo3 = (
            nxt(), nxt(), nxt(), nxt(), nxt(), nxt(), nxt(), nxt(), nxt(), nxt())
        o_out = nxt()
    else:
        h_out, x_out, e_out = nxt(), nxt(), nxt()

    nb = pl.program_id(1)

    xr = x_r[0]
    xsr = xr[:, 0:1]
    ysr = xr[:, 1:2]
    xsl = xT[0, 0:1, :]
    ysl = xT[0, 1:2, :]
    dx = xsl - xsr
    dy = ysl - ysr
    dist = jnp.sqrt(dx * dx + dy * dy)

    te3 = te[0].reshape(1, 1, ED)
    if first:
        xf = x_f[0]
        hf = (_bf(xf[:, 0:1]) * _bf(wne0[...])
              + _bf(xf[:, 1:2]) * _bf(wne1[...]) + bne[...])
        hr = _bf(xsr) * _bf(wne0[...]) + _bf(ysr) * _bf(wne1[...]) + bne[...]
        e_t3 = (ef[0][:, :, None] * wee[...].reshape(1, 1, ED)
                + bee[...].reshape(1, 1, ED) + te3)
    else:
        hf = h_f[0]
        hr = h_r[0]
        e_t3 = e_in[0] + te3

    e_t2 = e_t3.reshape(R * N, ED)
    hr3 = jnp.broadcast_to(hr[:, None, :], (R, N, ND))
    hc3 = jnp.broadcast_to(hf[None, :, :], (R, N, ND))
    m_in = jnp.concatenate([hr3, hc3, dist[:, :, None], e_t3], axis=-1)
    m2 = _dot(m_in.reshape(R * N, 2 * ND + 1 + ED), w1[...]) + b1[...]
    m2 = _silu(m2)
    m2 = _lnorm(m2, mg[...], mb[...])
    m2 = _silu(_dot(m2, w2[...]) + b2[...])
    msgs = _dot(m2, w3[...]) + b3[...]

    ne_in = jnp.concatenate([e_t2, msgs], axis=-1)
    ne = _silu(_dot(ne_in, e1w[...]) + eb1[...])
    ne = _lnorm(ne, eg[...], egb[...])
    ne = _dot(ne, e2w[...]) + eb2[...]
    e_new2 = _lnorm(e_t2 + ne, eng[...], enb[...])

    if last:
        o = _lnorm(e_new2, og1[...], ob1[...])
        o = _silu(_dot(o, wo1[...]) + bo1[...])
        o = _lnorm(o, og2[...], ob2[...])
        o = _silu(_dot(o, wo2[...]) + bo2[...])
        o = _dot(o, wo3[...]) + bo3[...]
        o_out[0] = o.reshape(R, N, 2)
        return

    e_out[0] = e_new2.reshape(R, N, ED)

    rows = jax.lax.broadcasted_iota(jnp.int32, (R, N), 0) + nb * R
    cols = jax.lax.broadcasted_iota(jnp.int32, (R, N), 1)
    mask = rows != cols

    cw1 = _silu(_dot(msgs, cw1w[...]) + cb1[...])
    cwl = _dot(cw1, cw2[...]).reshape(R, N)
    den = dist + 1e-8
    sx = jnp.sum(jnp.where(mask, cwl * dx / den, 0.0), axis=1, keepdims=True)
    sy = jnp.sum(jnp.where(mask, cwl * dy / den, 0.0), axis=1, keepdims=True)
    x_out[0] = xr + jnp.concatenate([sx, sy], axis=1)

    rows3 = jax.lax.broadcasted_iota(jnp.int32, (R, N, 1), 0) + nb * R
    cols3 = jax.lax.broadcasted_iota(jnp.int32, (R, N, 1), 1)
    mask3 = rows3 != cols3
    hagg = jnp.sum(jnp.where(mask3, msgs.reshape(R, N, HID), 0.0),
                   axis=1)
    nh = jnp.concatenate([hr, hagg], axis=1)
    nh = _silu(_dot(nh, n1[...]) + nb1[...])
    nh = _lnorm(nh, ng[...], ngb[...])
    nh = _dot(nh, n2[...]) + nb2[...]
    h_out[0] = _lnorm(hr + nh, nng[...], nnb[...])


def _row2(p):
    return p.reshape(1, -1)


def _layer_weights(lp, last):
    ws = [lp["msg1"]["w"], _row2(lp["msg1"]["b"]),
          _row2(lp["msg_ln"]["g"]), _row2(lp["msg_ln"]["b"]),
          lp["msg2"]["w"], _row2(lp["msg2"]["b"]),
          lp["msg3"]["w"], _row2(lp["msg3"]["b"])]
    if not last:
        ws += [lp["coord1"]["w"], _row2(lp["coord1"]["b"]), lp["coord2"]["w"],
               lp["node1"]["w"], _row2(lp["node1"]["b"]),
               _row2(lp["node_ln"]["g"]), _row2(lp["node_ln"]["b"]),
               lp["node2"]["w"], _row2(lp["node2"]["b"]),
               _row2(lp["node_norm"]["g"]), _row2(lp["node_norm"]["b"])]
    ws += [lp["edge1"]["w"], _row2(lp["edge1"]["b"]),
           _row2(lp["edge_ln"]["g"]), _row2(lp["edge_ln"]["b"]),
           lp["edge2"]["w"], _row2(lp["edge2"]["b"]),
           _row2(lp["edge_norm"]["g"]), _row2(lp["edge_norm"]["b"])]
    return ws


def _full_spec(a):
    nd = a.ndim
    return pl.BlockSpec(a.shape, lambda b, n, _nd=nd: (0,) * _nd)


def _layer_call(first, last, x, xT, h, e_or_ef, te, ws, head_ws=None):
    B = x.shape[0]
    grid = (B, N // R)
    operands = [x, xT]
    specs = [pl.BlockSpec((1, R, 2), lambda b, n: (b, n, 0)),
             pl.BlockSpec((1, 2, N), lambda b, n: (b, 0, 0))]
    if first:
        operands += [x, e_or_ef]
        specs += [pl.BlockSpec((1, N, 2), lambda b, n: (b, 0, 0)),
                  pl.BlockSpec((1, R, N), lambda b, n: (b, n, 0))]
    else:
        operands += [h, h, e_or_ef]
        specs += [pl.BlockSpec((1, R, ND), lambda b, n: (b, n, 0)),
                  pl.BlockSpec((1, N, ND), lambda b, n: (b, 0, 0)),
                  pl.BlockSpec((1, R, N, ED), lambda b, n: (b, n, 0, 0))]
    operands.append(te)
    specs.append(pl.BlockSpec((1, 1, ED), lambda b, n: (b, 0, 0)))
    operands += ws
    specs += [_full_spec(w) for w in ws]
    if last:
        operands += head_ws
        specs += [_full_spec(w) for w in head_ws]
        out_shape = jax.ShapeDtypeStruct((B, N, N, 2), jnp.float32)
        out_specs = pl.BlockSpec((1, R, N, 2), lambda b, n: (b, n, 0, 0))
    else:
        out_shape = [jax.ShapeDtypeStruct((B, N, ND), jnp.float32),
                     jax.ShapeDtypeStruct((B, N, 2), jnp.float32),
                     jax.ShapeDtypeStruct((B, N, N, ED), jnp.float32)]
        out_specs = [pl.BlockSpec((1, R, ND), lambda b, n: (b, n, 0)),
                     pl.BlockSpec((1, R, 2), lambda b, n: (b, n, 0)),
                     pl.BlockSpec((1, R, N, ED), lambda b, n: (b, n, 0, 0))]
    body = functools.partial(_egnn_body, first, last)
    fn = lambda *refs: body(refs)
    return pl.pallas_call(fn, grid=grid, in_specs=specs, out_specs=out_specs,
                          out_shape=out_shape)(*operands)


def _time_body(t_ref, w1, b1, w2, b2, tw, tb, out_ref):
    t = t_ref[...]
    k = jax.lax.broadcasted_iota(jnp.int32, (1, HID // 2), 1).astype(jnp.float32)
    freqs = jnp.exp((-math.log(10000.0) / (HID // 2)) * k)
    args = t * freqs
    temb = jnp.concatenate([jnp.cos(args), jnp.sin(args)], axis=1)
    u = _silu(_dot(temb, w1[...]) + b1[...])
    u = _dot(u, w2[...]) + b2[...]
    for l in range(NL):
        out_ref[l] = _dot(u, tw[l]) + tb[l, 0:1, :]


def _time_call(tf, params):
    B = tf.shape[0]
    tw = jnp.stack([lp["time"]["w"] for lp in params["layers"]])
    tb = jnp.stack([_row2(lp["time"]["b"]) for lp in params["layers"]])
    ops = [tf, params["time1"]["w"], _row2(params["time1"]["b"]),
           params["time2"]["w"], _row2(params["time2"]["b"]), tw, tb]
    specs = [pl.BlockSpec(a.shape, lambda i, _nd=a.ndim: (0,) * _nd)
             for a in ops]
    return pl.pallas_call(
        _time_body, grid=(1,), in_specs=specs,
        out_specs=pl.BlockSpec((NL, B, ED), lambda i: (0, 0, 0)),
        out_shape=jax.ShapeDtypeStruct((NL, B, ED), jnp.float32))(*ops)


def _pad_maps():
    a = np.repeat(np.arange(N), N)
    c = np.tile(np.arange(N), N)
    offd = a != c
    src = a * (N - 1) + c - (c > a)
    src = np.where(offd, src, 0).astype(np.int32)
    out_idx = (a * N + c)[offd].astype(np.int32)
    return src, offd.astype(np.float32), out_idx


_EF_SRC, _DIAG_MASK, _OUT_IDX = _pad_maps()


def kernel(coords, edge_features, timesteps, edge_index, params):
    B = coords.shape[0]
    x = coords
    ef_pad = (edge_features[:, _EF_SRC] * _DIAG_MASK[None, :]).reshape(B, N, N)

    tf = timesteps.astype(jnp.float32).reshape(B, 1)
    te_all = _time_call(tf, params)

    ne_w = params["node_embed"]["w"]
    embed_ws = [_row2(ne_w[0]), _row2(ne_w[1]), _row2(params["node_embed"]["b"]),
                _row2(params["edge_embed"]["w"][0]),
                _row2(params["edge_embed"]["b"])]

    h = None
    e = ef_pad
    for l in range(NL):
        lp = params["layers"][l]
        te = te_all[l].reshape(B, 1, ED)
        first = l == 0
        last = l == NL - 1
        ws = _layer_weights(lp, last)
        xT = jnp.transpose(x, (0, 2, 1))
        if first:
            ws = embed_ws + ws
            h, x, e = _layer_call(True, False, x, xT, None, e, te, ws)
        elif last:
            head_ws = [_row2(params["out_ln1"]["g"]), _row2(params["out_ln1"]["b"]),
                       params["out1"]["w"], _row2(params["out1"]["b"]),
                       _row2(params["out_ln2"]["g"]), _row2(params["out_ln2"]["b"]),
                       params["out2"]["w"], _row2(params["out2"]["b"]),
                       params["out3"]["w"], _row2(params["out3"]["b"])]
            o_pad = _layer_call(False, True, x, xT, h, e, te, ws, head_ws)
        else:
            h, x, e = _layer_call(False, False, x, xT, h, e, te, ws)

    return o_pad.reshape(B, N * N, 2)[:, _OUT_IDX, :]

# --- scband reference (transcript-rebuilt; emitter-appended) ---
"""Pipeline reference for scband-ediscotspsolver-31653908971883 (READ-ONLY COPY).

The authoritative reference and input builder live on the scoring server;
editing this copy changes nothing except your own understanding.
"""

import jax, jax.numpy as jnp
import numpy as np
import math

N_NODES = 200
BATCH = 4
NODE_DIM = 64
EDGE_DIM = 128
HIDDEN = 128
N_LAYERS = 8


def _lin(key, din, dout, bias=True):
    k1, _ = jax.random.split(key)
    p = {"w": jax.random.normal(k1, (din, dout), jnp.float32) / np.sqrt(din)}
    if bias:
        p["b"] = jnp.zeros((dout,), jnp.float32)
    return p


def _ln_p(dim):
    return {"g": jnp.ones((dim,), jnp.float32), "b": jnp.zeros((dim,), jnp.float32)}


def linear(p, x):
    y = x @ p["w"]
    if "b" in p:
        y = y + p["b"]
    return y


def ln(p, x):
    m = jnp.mean(x, -1, keepdims=True)
    v = jnp.var(x, -1, keepdims=True)
    return (x - m) / jnp.sqrt(v + 1e-5) * p["g"] + p["b"]


def silu(x):
    return x * jax.nn.sigmoid(x)


def timestep_embedding(t, dim, max_period=10000):
    half = dim // 2
    freqs = jnp.exp(-math.log(max_period) * jnp.arange(half, dtype=jnp.float32) / half)
    args = t[:, None].astype(jnp.float32) * freqs[None]
    return jnp.concatenate([jnp.cos(args), jnp.sin(args)], -1)


def _layer_params(key):
    ks = jax.random.split(key, 10)
    return {
        "msg1": _lin(ks[0], NODE_DIM * 2 + 1 + EDGE_DIM, HIDDEN),
        "msg_ln": _ln_p(HIDDEN),
        "msg2": _lin(ks[1], HIDDEN, HIDDEN),
        "msg3": _lin(ks[2], HIDDEN, HIDDEN),
        "coord1": _lin(ks[3], HIDDEN, HIDDEN),
        "coord2": _lin(ks[4], HIDDEN, 1, bias=False),
        "node1": _lin(ks[5], NODE_DIM + HIDDEN, HIDDEN),
        "node_ln": _ln_p(HIDDEN),
        "node2": _lin(ks[6], HIDDEN, NODE_DIM),
        "edge1": _lin(ks[7], EDGE_DIM + HIDDEN, HIDDEN),
        "edge_ln": _ln_p(HIDDEN),
        "edge2": _lin(ks[8], HIDDEN, EDGE_DIM),
        "node_norm": _ln_p(NODE_DIM),
        "edge_norm": _ln_p(EDGE_DIM),
        "time": _lin(ks[9], HIDDEN, EDGE_DIM),
    }


def init_params(key):
    ks = jax.random.split(key, 7)
    return {
        "node_embed": _lin(ks[0], 2, NODE_DIM),
        "edge_embed": _lin(ks[1], 1, EDGE_DIM),
        "time1": _lin(ks[2], HIDDEN, 256),
        "time2": _lin(ks[3], 256, HIDDEN),
        "out_ln1": _ln_p(EDGE_DIM),
        "out1": _lin(ks[4], EDGE_DIM, HIDDEN),
        "out_ln2": _ln_p(HIDDEN),
        "out2": _lin(ks[5], HIDDEN, 64),
        "out3": _lin(ks[6], 64, 2),
        "layers": [_layer_params(jax.random.fold_in(key, 200 + i)) for i in range(N_LAYERS)],
    }


def egnn_layer(p, h, x, e, row, col):
    x_diff = x[:, col] - x[:, row]
    dist = jnp.linalg.norm(x_diff, axis=-1, keepdims=True)
    h_row = h[:, row]
    h_col = h[:, col]
    m = jnp.concatenate([h_row, h_col, dist, e], -1)
    m = silu(linear(p["msg1"], m))
    m = ln(p["msg_ln"], m)
    m = silu(linear(p["msg2"], m))
    messages = linear(p["msg3"], m)
    cw = silu(linear(p["coord1"], messages))
    cw = linear(p["coord2"], cw)
    x_update = cw * x_diff / (dist + 1e-8)
    x_new = x + jnp.zeros_like(x).at[:, row].add(x_update)
    h_agg = jnp.zeros((h.shape[0], h.shape[1], messages.shape[-1]), h.dtype).at[:, row].add(messages)
    nh = jnp.concatenate([h, h_agg], -1)
    nh = silu(linear(p["node1"], nh))
    nh = ln(p["node_ln"], nh)
    nh = linear(p["node2"], nh)
    h_new = ln(p["node_norm"], h + nh)
    ne = jnp.concatenate([e, messages], -1)
    ne = silu(linear(p["edge1"], ne))
    ne = ln(p["edge_ln"], ne)
    ne = linear(p["edge2"], ne)
    e_new = ln(p["edge_norm"], e + ne)
    return h_new, x_new, e_new


def score_forward(params, coords, edge_features, timesteps, edge_index):
    row, col = edge_index[0], edge_index[1]
    h = linear(params["node_embed"], coords)
    x = coords
    e = linear(params["edge_embed"], edge_features[..., None])
    t = timestep_embedding(timesteps, HIDDEN)
    t = linear(params["time2"], silu(linear(params["time1"], t)))
    for lp in params["layers"]:
        e_t = e + linear(lp["time"], t)[:, None, :]
        h, x, e = egnn_layer(lp, h, x, e_t, row, col)
    o = ln(params["out_ln1"], e)
    o = silu(linear(params["out1"], o))
    o = ln(params["out_ln2"], o)
    o = silu(linear(params["out2"], o))
    o = linear(params["out3"], o)
    return o


def setup_inputs(seed: int = 0):
    key = jax.random.key(seed)
    k1, k2, k3, k4 = jax.random.split(key, 4)
    a = np.repeat(np.arange(N_NODES), N_NODES)
    b = np.tile(np.arange(N_NODES), N_NODES)
    mask = a != b
    edge_index = jnp.asarray(np.stack([a[mask], b[mask]], axis=0), dtype=jnp.int32)
    coords = jax.random.uniform(k1, (BATCH, N_NODES, 2), jnp.float32)
    n_edges = edge_index.shape[1]
    edge_features = (jax.random.uniform(k2, (BATCH, n_edges)) < 0.5).astype(jnp.float32)
    timesteps = jax.random.randint(k3, (BATCH,), 0, 100)
    params = init_params(k4)
    return {"coords": coords, "edge_features": edge_features, "timesteps": timesteps, "edge_index": edge_index, "params": params}


def reference(coords, edge_features, timesteps, edge_index, params):
    return score_forward(params, coords, edge_features, timesteps, edge_index)

if __name__ == "__main__":
    import jax
    _d = setup_inputs()
    print(jax.jit(kernel)(*tuple(_d.values())))

</pallas_src>

<mosaic_0001>
module attributes {stable_mosaic.version = 14 : i64} {
  func.func @_time_body(%arg0: i32, %arg1: memref<4x1xf32, #tpu.memory_space<vmem>>, %arg2: memref<128x256xf32, #tpu.memory_space<vmem>>, %arg3: memref<1x256xf32, #tpu.memory_space<vmem>>, %arg4: memref<256x128xf32, #tpu.memory_space<vmem>>, %arg5: memref<1x128xf32, #tpu.memory_space<vmem>>, %arg6: memref<8x128x128xf32, #tpu.memory_space<vmem>>, %arg7: memref<8x1x128xf32, #tpu.memory_space<vmem>>, %arg8: memref<8x4x128xf32, #tpu.memory_space<vmem>>) attributes {dimension_semantics = [#tpu.dimension_semantics<arbitrary>], iteration_bounds = array<i64: 1>, scalar_prefetch = 0 : i64, scratch_operands = 0 : i64, tpu.core_type = #tpu.core_type<tc>, window_params = [{pipeline_mode = #tpu.pipeline_mode<synchronous>, transform_indices = @transform_0, window_bounds = array<i64: 4, 1>}, {pipeline_mode = #tpu.pipeline_mode<synchronous>, transform_indices = @transform_1, window_bounds = array<i64: 128, 256>}, {pipeline_mode = #tpu.pipeline_mode<synchronous>, transform_indices = @transform_2, window_bounds = array<i64: 1, 256>}, {pipeline_mode = #tpu.pipeline_mode<synchronous>, transform_indices = @transform_3, window_bounds = array<i64: 256, 128>}, {pipeline_mode = #tpu.pipeline_mode<synchronous>, transform_indices = @transform_4, window_bounds = array<i64: 1, 128>}, {pipeline_mode = #tpu.pipeline_mode<synchronous>, transform_indices = @transform_5, window_bounds = array<i64: 8, 128, 128>}, {pipeline_mode = #tpu.pipeline_mode<synchronous>, transform_indices = @transform_6, window_bounds = array<i64: 8, 1, 128>}, {pipeline_mode = #tpu.pipeline_mode<synchronous>, transform_indices = @transform_7, window_bounds = array<i64: 8, 4, 128>}]} {
    %get3A = arith.constant 0 : index
    %get3A_0 = arith.constant 0 : index
    %get3A_1 = vector.load %arg1[%get3A, %get3A_0] : memref<4x1xf32, #tpu.memory_space<vmem>>, vector<4x1xf32>
    %iota3A = tpu.iota {dimensions = array<i32: 1>} : vector<1x64xi32>
    %convert_element_type3A = arith.sitofp %iota3A : vector<1x64xi32> to vector<1x64xf32>
    %mul3A = arith.constant -0.14391157 : f32
    %mul3A_2 = vector.broadcast %mul3A : f32 to vector<1x64xf32>
    %mul3A_3 = arith.mulf %mul3A_2, %convert_element_type3A : vector<1x64xf32>
    %exp3A = math.exp %mul3A_3 : vector<1x64xf32>
    %mul3A_4 = vector.broadcast %get3A_1 : vector<4x1xf32> to vector<4x64xf32>
    %mul3A_5 = vector.broadcast %exp3A : vector<1x64xf32> to vector<4x64xf32>
    %mul3A_6 = arith.mulf %mul3A_4, %mul3A_5 : vector<4x64xf32>
    %cos3A = math.cos %mul3A_6 : vector<4x64xf32>
    %sin3A = math.sin %mul3A_6 : vector<4x64xf32>
    %concatenate3A = tpu.concatenate %cos3A, %sin3A in 1 : vector<4x64xf32>, vector<4x64xf32> -> vector<4x128xf32>
    %get3A_7 = arith.constant 0 : index
    %get3A_8 = arith.constant 0 : index
    %get3A_9 = vector.load %arg2[%get3A_7, %get3A_8] : memref<128x256xf32, #tpu.memory_space<vmem>>, vector<128x256xf32>
    %dot_general3A = arith.constant dense<0.000000e+00> : vector<4x256xf32>
    %dot_general3A_10 = tpu.matmul %concatenate3A, %get3A_9, %dot_general3A {dimension_numbers = #tpu.dot_dimension_numbers<[1], [0], [0], [1], [0, 0, 1, 1], [], []>, transpose_lhs_hint = false} : vector<4x128xf32>, vector<128x256xf32>, vector<4x256xf32> -> vector<4x256xf32>
    %get3A_11 = arith.constant 0 : index
    %get3A_12 = arith.constant 0 : index
    %get3A_13 = vector.load %arg3[%get3A_11, %get3A_12] : memref<1x256xf32, #tpu.memory_space<vmem>>, vector<1x256xf32>
    %add3A = vector.broadcast %get3A_13 : vector<1x256xf32> to vector<4x256xf32>
    %add3A_14 = arith.addf %dot_general3A_10, %add3A : vector<4x256xf32>
    %logistic3A = arith.negf %add3A_14 : vector<4x256xf32>
    %logistic3A_15 = math.exp %logistic3A : vector<4x256xf32>
    %logistic3A_16 = arith.constant 1.000000e+00 : f32
    %logistic3A_17 = vector.broadcast %logistic3A_16 : f32 to vector<4x256xf32>
    %logistic3A_18 = arith.addf %logistic3A_17, %logistic3A_15 : vector<4x256xf32>
    %logistic3A_19 = arith.divf %logistic3A_17, %logistic3A_18 : vector<4x256xf32>
    %mul3A_20 = arith.mulf %add3A_14, %logistic3A_19 : vector<4x256xf32>
    %get3A_21 = arith.constant 0 : index
    %get3A_22 = arith.constant 0 : index
    %get3A_23 = vector.load %arg4[%get3A_21, %get3A_22] : memref<256x128xf32, #tpu.memory_space<vmem>>, vector<256x128xf32>
    %dot_general3A_24 = arith.constant dense<0.000000e+00> : vector<4x128xf32>
    %dot_general3A_25 = tpu.matmul %mul3A_20, %get3A_23, %dot_general3A_24 {dimension_numbers = #tpu.dot_dimension_numbers<[1], [0], [0], [1], [0, 0, 1, 1], [], []>, transpose_lhs_hint = false} : vector<4x256xf32>, vector<256x128xf32>, vector<4x128xf32> -> vector<4x128xf32>
    %get3A_26 = arith.constant 0 : index
    %get3A_27 = arith.constant 0 : index
    %get3A_28 = vector.load %arg5[%get3A_26, %get3A_27] : memref<1x128xf32, #tpu.memory_space<vmem>>, vector<1x128xf32>
    %add3A_29 = vector.broadcast %get3A_28 : vector<1x128xf32> to vector<4x128xf32>
    %add3A_30 = arith.addf %dot_general3A_25, %add3A_29 : vector<4x128xf32>
    %get3A_31 = arith.constant 0 : index
    %get3A_32 = arith.constant 0 : index
    %get3A_33 = arith.constant 0 : index
    %get3A_34 = vector.load %arg6[%get3A_31, %get3A_32, %get3A_33] : memref<8x128x128xf32, #tpu.memory_space<vmem>>, vector<1x128x128xf32>
    %get3A_35 = vector.shape_cast %get3A_34 : vector<1x128x128xf32> to vector<128x128xf32>
    %dot_general3A_36 = arith.constant dense<0.000000e+00> : vector<4x128xf32>
    %dot_general3A_37 = tpu.matmul %add3A_30, %get3A_35, %dot_general3A_36 {dimension_numbers = #tpu.dot_dimension_numbers<[1], [0], [0], [1], [0, 0, 1, 1], [], []>, transpose_lhs_hint = false} : vector<4x128xf32>, vector<128x128xf32>, vector<4x128xf32> -> vector<4x128xf32>
    %get3A_38 = arith.constant 0 : index
    %get3A_39 = arith.constant 0 : index
    %get3A_40 = arith.constant 0 : index
    %get3A_41 = vector.load %arg7[%get3A_38, %get3A_39, %get3A_40] : memref<8x1x128xf32, #tpu.memory_space<vmem>>, vector<1x1x128xf32>
    %get3A_42 = vector.shape_cast %get3A_41 : vector<1x1x128xf32> to vector<1x128xf32>
    %add3A_43 = vector.broadcast %get3A_42 : vector<1x128xf32> to vector<4x128xf32>
    %add3A_44 = arith.addf %dot_general3A_37, %add3A_43 : vector<4x128xf32>
    %swap3A = arith.constant 0 : index
    %swap3A_45 = arith.constant 0 : index
    %swap3A_46 = arith.constant 0 : index
    %swap3A_47 = vector.load %arg8[%swap3A, %swap3A_45, %swap3A_46] : memref<8x4x128xf32, #tpu.memory_space<vmem>>, vector<1x4x128xf32>
    %swap3A_48 = vector.shape_cast %swap3A_47 : vector<1x4x128xf32> to vector<4x128xf32>
    %swap3A_49 = vector.shape_cast %add3A_44 : vector<4x128xf32> to vector<1x4x128xf32>
    tpu.vector_store %arg8[%swap3A, %swap3A_45, %swap3A_46], %swap3A_49 {strides = array<i32>} : memref<8x4x128xf32, #tpu.memory_space<vmem>>, vector<1x4x128xf32>,
    %get3A_50 = arith.constant 1 : index
    %get3A_51 = arith.constant 0 : index
    %get3A_52 = arith.constant 0 : index
    %get3A_53 = vector.load %arg6[%get3A_50, %get3A_51, %get3A_52] : memref<8x128x128xf32, #tpu.memory_space<vmem>>, vector<1x128x128xf32>
    %get3A_54 = vector.shape_cast %get3A_53 : vector<1x128x128xf32> to vector<128x128xf32>
    %dot_general3A_55 = arith.constant dense<0.000000e+00> : vector<4x128xf32>
    %dot_general3A_56 = tpu.matmul %add3A_30, %get3A_54, %dot_general3A_55 {dimension_numbers = #tpu.dot_dimension_numbers<[1], [0], [0], [1], [0, 0, 1, 1], [], []>, transpose_lhs_hint = false} : vector<4x128xf32>, vector<128x128xf32>, vector<4x128xf32> -> vector<4x128xf32>
    %get3A_57 = arith.constant 1 : index
    %get3A_58 = arith.constant 0 : index
    %get3A_59 = arith.constant 0 : index
    %get3A_60 = vector.load %arg7[%get3A_57, %get3A_58, %get3A_59] : memref<8x1x128xf32, #tpu.memory_space<vmem>>, vector<1x1x128xf32>
    %get3A_61 = vector.shape_cast %get3A_60 : vector<1x1x128xf32> to vector<1x128xf32>
    %add3A_62 = vector.broadcast %get3A_61 : vector<1x128xf32> to vector<4x128xf32>
    %add3A_63 = arith.addf %dot_general3A_56, %add3A_62 : vector<4x128xf32>
    %swap3A_64 = arith.constant 1 : index
    %swap3A_65 = arith.constant 0 : index
    %swap3A_66 = arith.constant 0 : index
    %swap3A_67 = vector.load %arg8[%swap3A_64, %swap3A_65, %swap3A_66] : memref<8x4x128xf32, #tpu.memory_space<vmem>>, vector<1x4x128xf32>
    %swap3A_68 = vector.shape_cast %swap3A_67 : vector<1x4x128xf32> to vector<4x128xf32>
    %swap3A_69 = vector.shape_cast %add3A_63 : vector<4x128xf32> to vector<1x4x128xf32>
    tpu.vector_store %arg8[%swap3A_64, %swap3A_65, %swap3A_66], %swap3A_69 {strides = array<i32>} : memref<8x4x128xf32, #tpu.memory_space<vmem>>, vector<1x4x128xf32>,
    %get3A_70 = arith.constant 2 : index
    %get3A_71 = arith.constant 0 : index
    %get3A_72 = arith.constant 0 : index
    %get3A_73 = vector.load %arg6[%get3A_70, %get3A_71, %get3A_72] : memref<8x128x128xf32, #tpu.memory_space<vmem>>, vector<1x128x128xf32>
    %get3A_74 = vector.shape_cast %get3A_73 : vector<1x128x128xf32> to vector<128x128xf32>
    %dot_general3A_75 = arith.constant dense<0.000000e+00> : vector<4x128xf32>
    %dot_general3A_76 = tpu.matmul %add3A_30, %get3A_74, %dot_general3A_75 {dimension_numbers = #tpu.dot_dimension_numbers<[1], [0], [0], [1], [0, 0, 1, 1], [], []>, transpose_lhs_hint = false} : vector<4x128xf32>, vector<128x128xf32>, vector<4x128xf32> -> vector<4x128xf32>
    %get3A_77 = arith.constant 2 : index
    %get3A_78 = arith.constant 0 : index
    %get3A_79 = arith.constant 0 : index
    %get3A_80 = vector.load %arg7[%get3A_77, %get3A_78, %get3A_79] : memref<8x1x128xf32, #tpu.memory_space<vmem>>, vector<1x1x128xf32>
    %get3A_81 = vector.shape_cast %get3A_80 : vector<1x1x128xf32> to vector<1x128xf32>
    %add3A_82 = vector.broadcast %get3A_81 : vector<1x128xf32> to vector<4x128xf32>
    %add3A_83 = arith.addf %dot_general3A_76, %add3A_82 : vector<4x128xf32>
    %swap3A_84 = arith.constant 2 : index
    %swap3A_85 = arith.constant 0 : index
    %swap3A_86 = arith.constant 0 : index
    %swap3A_87 = vector.load %arg8[%swap3A_84, %swap3A_85, %swap3A_86] : memref<8x4x128xf32, #tpu.memory_space<vmem>>, vector<1x4x128xf32>
    %swap3A_88 = vector.shape_cast %swap3A_87 : vector<1x4x128xf32> to vector<4x128xf32>
    %swap3A_89 = vector.shape_cast %add3A_83 : vector<4x128xf32> to vector<1x4x128xf32>
    tpu.vector_store %arg8[%swap3A_84, %swap3A_85, %swap3A_86], %swap3A_89 {strides = array<i32>} : memref<8x4x128xf32, #tpu.memory_space<vmem>>, vector<1x4x128xf32>,
    %get3A_90 = arith.constant 3 : index
    %get3A_91 = arith.constant 0 : index
    %get3A_92 = arith.constant 0 : index
    %get3A_93 = vector.load %arg6[%get3A_90, %get3A_91, %get3A_92] : memref<8x128x128xf32, #tpu.memory_space<vmem>>, vector<1x128x128xf32>
    %get3A_94 = vector.shape_cast %get3A_93 : vector<1x128x128xf32> to vector<128x128xf32>
    %dot_general3A_95 = arith.constant dense<0.000000e+00> : vector<4x128xf32>
    %dot_general3A_96 = tpu.matmul %add3A_30, %get3A_94, %dot_general3A_95 {dimension_numbers = #tpu.dot_dimension_numbers<[1], [0], [0], [1], [0, 0, 1, 1], [], []>, transpose_lhs_hint = false} : vector<4x128xf32>, vector<128x128xf32>, vector<4x128xf32> -> vector<4x128xf32>
    %get3A_97 = arith.constant 3 : index
    %get3A_98 = arith.constant 0 : index
    %get3A_99 = arith.constant 0 : index
    %get3A_100 = vector.load %arg7[%get3A_97, %get3A_98, %get3A_99] : memref<8x1x128xf32, #tpu.memory_space<vmem>>, vector<1x1x128xf32>
    %get3A_101 = vector.shape_cast %get3A_100 : vector<1x1x128xf32> to vector<1x128xf32>
    %add3A_102 = vector.broadcast %get3A_101 : vector<1x128xf32> to vector<4x128xf32>
    %add3A_103 = arith.addf %dot_general3A_96, %add3A_102 : vector<4x128xf32>
    %swap3A_104 = arith.constant 3 : index
    %swap3A_105 = arith.constant 0 : index
    %swap3A_106 = arith.constant 0 : index
    %swap3A_107 = vector.load %arg8[%swap3A_104, %swap3A_105, %swap3A_106] : memref<8x4x128xf32, #tpu.memory_space<vmem>>, vector<1x4x128xf32>
    %swap3A_108 = vector.shape_cast %swap3A_107 : vector<1x4x128xf32> to vector<4x128xf32>
    %swap3A_109 = vector.shape_cast %add3A_103 : vector<4x128xf32> to vector<1x4x128xf32>
    tpu.vector_store %arg8[%swap3A_104, %swap3A_105, %swap3A_106], %swap3A_109 {strides = array<i32>} : memref<8x4x128xf32, #tpu.memory_space<vmem>>, vector<1x4x128xf32>,
    %get3A_110 = arith.constant 4 : index
    %get3A_111 = arith.constant 0 : index
    %get3A_112 = arith.constant 0 : index
    %get3A_113 = vector.load %arg6[%get3A_110, %get3A_111, %get3A_112] : memref<8x128x128xf32, #tpu.memory_space<vmem>>, vector<1x128x128xf32>
    %get3A_114 = vector.shape_cast %get3A_113 : vector<1x128x128xf32> to vector<128x128xf32>
    %dot_general3A_115 = arith.constant dense<0.000000e+00> : vector<4x128xf32>
    %dot_general3A_116 = tpu.matmul %add3A_30, %get3A_114, %dot_general3A_115 {dimension_numbers = #tpu.dot_dimension_numbers<[1], [0], [0], [1], [0, 0, 1, 1], [], []>, transpose_lhs_hint = false} : vector<4x128xf32>, vector<128x128xf32>, vector<4x128xf32> -> vector<4x128xf32>
    %get3A_117 = arith.constant 4 : index
    %get3A_118 = arith.constant 0 : index
    %get3A_119 = arith.constant 0 : index
    %get3A_120 = vector.load %arg7[%get3A_117, %get3A_118, %get3A_119] : memref<8x1x128xf32, #tpu.memory_space<vmem>>, vector<1x1x128xf32>
    %get3A_121 = vector.shape_cast %get3A_120 : vector<1x1x128xf32> to vector<1x128xf32>
    %add3A_122 = vector.broadcast %get3A_121 : vector<1x128xf32> to vector<4x128xf32>
    %add3A_123 = arith.addf %dot_general3A_116, %add3A_122 : vector<4x128xf32>
    %swap3A_124 = arith.constant 4 : index
    %swap3A_125 = arith.constant 0 : index
    %swap3A_126 = arith.constant 0 : index
    %swap3A_127 = vector.load %arg8[%swap3A_124, %swap3A_125, %swap3A_126] : memref<8x4x128xf32, #tpu.memory_space<vmem>>, vector<1x4x128xf32>
    %swap3A_128 = vector.shape_cast %swap3A_127 : vector<1x4x128xf32> to vector<4x128xf32>
    %swap3A_129 = vector.shape_cast %add3A_123 : vector<4x128xf32> to vector<1x4x128xf32>
    tpu.vector_store %arg8[%swap3A_124, %swap3A_125, %swap3A_126], %swap3A_129 {strides = array<i32>} : memref<8x4x128xf32, #tpu.memory_space<vmem>>, vector<1x4x128xf32>,
    %get3A_130 = arith.constant 5 : index
    %get3A_131 = arith.constant 0 : index
    %get3A_132 = arith.constant 0 : index
    %get3A_133 = vector.load %arg6[%get3A_130, %get3A_131, %get3A_132] : memref<8x128x128xf32, #tpu.memory_space<vmem>>, vector<1x128x128xf32>
    %get3A_134 = vector.shape_cast %get3A_133 : vector<1x128x128xf32> to vector<128x128xf32>
    %dot_general3A_135 = arith.constant dense<0.000000e+00> : vector<4x128xf32>
    %dot_general3A_136 = tpu.matmul %add3A_30, %get3A_134, %dot_general3A_135 {dimension_numbers = #tpu.dot_dimension_numbers<[1], [0], [0], [1], [0, 0, 1, 1], [], []>, transpose_lhs_hint = false} : vector<4x128xf32>, vector<128x128xf32>, vector<4x128xf32> -> vector<4x128xf32>
    %get3A_137 = arith.constant 5 : index
    %get3A_138 = arith.constant 0 : index
    %get3A_139 = arith.constant 0 : index
    %get3A_140 = vector.load %arg7[%get3A_137, %get3A_138, %get3A_139] : memref<8x1x128xf32, #tpu.memory_space<vmem>>, vector<1x1x128xf32>
    %get3A_141 = vector.shape_cast %get3A_140 : vector<1x1x128xf32> to vector<1x128xf32>
    %add3A_142 = vector.broadcast %get3A_141 : vector<1x128xf32> to vector<4x128xf32>
    %add3A_143 = arith.addf %dot_general3A_136, %add3A_142 : vector<4x128xf32>
    %swap3A_144 = arith.constant 5 : index
    %swap3A_145 = arith.constant 0 : index
    %swap3A_146 = arith.constant 0 : index
    %swap3A_147 = vector.load %arg8[%swap3A_144, %swap3A_145, %swap3A_146] : memref<8x4x128xf32, #tpu.memory_space<vmem>>, vector<1x4x128xf32>
    %swap3A_148 = vector.shape_cast %swap3A_147 : vector<1x4x128xf32> to vector<4x128xf32>
    %swap3A_149 = vector.shape_cast %add3A_143 : vector<4x128xf32> to vector<1x4x128xf32>
    tpu.vector_store %arg8[%swap3A_144, %swap3A_145, %swap3A_146], %swap3A_149 {strides = array<i32>} : memref<8x4x128xf32, #tpu.memory_space<vmem>>, vector<1x4x128xf32>,
    %get3A_150 = arith.constant 6 : index
    %get3A_151 = arith.constant 0 : index
    %get3A_152 = arith.constant 0 : index
    %get3A_153 = vector.load %arg6[%get3A_150, %get3A_151, %get3A_152] : memref<8x128x128xf32, #tpu.memory_space<vmem>>, vector<1x128x128xf32>
    %get3A_154 = vector.shape_cast %get3A_153 : vector<1x128x128xf32> to vector<128x128xf32>
    %dot_general3A_155 = arith.constant dense<0.000000e+00> : vector<4x128xf32>
    %dot_general3A_156 = tpu.matmul %add3A_30, %get3A_154, %dot_general3A_155 {dimension_numbers = #tpu.dot_dimension_numbers<[1], [0], [0], [1], [0, 0, 1, 1], [], []>, transpose_lhs_hint = false} : vector<4x128xf32>, vector<128x128xf32>, vector<4x128xf32> -> vector<4x128xf32>
    %get3A_157 = arith.constant 6 : index
    %get3A_158 = arith.constant 0 : index
    %get3A_159 = arith.constant 0 : index
    %get3A_160 = vector.load %arg7[%get3A_157, %get3A_158, %get3A_159] : memref<8x1x128xf32, #tpu.memory_space<vmem>>, vector<1x1x128xf32>
    %get3A_161 = vector.shape_cast %get3A_160 : vector<1x1x128xf32> to vector<1x128xf32>
    %add3A_162 = vector.broadcast %get3A_161 : vector<1x128xf32> to vector<4x128xf32>
    %add3A_163 = arith.addf %dot_general3A_156, %add3A_162 : vector<4x128xf32>
    %swap3A_164 = arith.constant 6 : index
    %swap3A_165 = arith.constant 0 : index
    %swap3A_166 = arith.constant 0 : index
    %swap3A_167 = vector.load %arg8[%swap3A_164, %swap3A_165, %swap3A_166] : memref<8x4x128xf32, #tpu.memory_space<vmem>>, vector<1x4x128xf32>
    %swap3A_168 = vector.shape_cast %swap3A_167 : vector<1x4x128xf32> to vector<4x128xf32>
    %swap3A_169 = vector.shape_cast %add3A_163 : vector<4x128xf32> to vector<1x4x128xf32>
    tpu.vector_store %arg8[%swap3A_164, %swap3A_165, %swap3A_166], %swap3A_169 {strides = array<i32>} : memref<8x4x128xf32, #tpu.memory_space<vmem>>, vector<1x4x128xf32>,
    %get3A_170 = arith.constant 7 : index
    %get3A_171 = arith.constant 0 : index
    %get3A_172 = arith.constant 0 : index
    %get3A_173 = vector.load %arg6[%get3A_170, %get3A_171, %get3A_172] : memref<8x128x128xf32, #tpu.memory_space<vmem>>, vector<1x128x128xf32>
    %get3A_174 = vector.shape_cast %get3A_173 : vector<1x128x128xf32> to vector<128x128xf32>
    %dot_general3A_175 = arith.constant dense<0.000000e+00> : vector<4x128xf32>
    %dot_general3A_176 = tpu.matmul %add3A_30, %get3A_174, %dot_general3A_175 {dimension_numbers = #tpu.dot_dimension_numbers<[1], [0], [0], [1], [0, 0, 1, 1], [], []>, transpose_lhs_hint = false} : vector<4x128xf32>, vector<128x128xf32>, vector<4x128xf32> -> vector<4x128xf32>
    %get3A_177 = arith.constant 7 : index
    %get3A_178 = arith.constant 0 : index
    %get3A_179 = arith.constant 0 : index
    %get3A_180 = vector.load %arg7[%get3A_177, %get3A_178, %get3A_179] : memref<8x1x128xf32, #tpu.memory_space<vmem>>, vector<1x1x128xf32>
    %get3A_181 = vector.shape_cast %get3A_180 : vector<1x1x128xf32> to vector<1x128xf32>
    %add3A_182 = vector.broadcast %get3A_181 : vector<1x128xf32> to vector<4x128xf32>
    %add3A_183 = arith.addf %dot_general3A_176, %add3A_182 : vector<4x128xf32>
    %swap3A_184 = arith.constant 7 : index
    %swap3A_185 = arith.constant 0 : index
    %swap3A_186 = arith.constant 0 : index
    %swap3A_187 = vector.load %arg8[%swap3A_184, %swap3A_185, %swap3A_186] : memref<8x4x128xf32, #tpu.memory_space<vmem>>, vector<1x4x128xf32>
    %swap3A_188 = vector.shape_cast %swap3A_187 : vector<1x4x128xf32> to vector<4x128xf32>
    %swap3A_189 = vector.shape_cast %add3A_183 : vector<4x128xf32> to vector<1x4x128xf32>
    tpu.vector_store %arg8[%swap3A_184, %swap3A_185, %swap3A_186], %swap3A_189 {strides = array<i32>} : memref<8x4x128xf32, #tpu.memory_space<vmem>>, vector<1x4x128xf32>,
    return
  }
  func.func @transform_0(%arg0: i32) -> (i32, i32) {
    %c0_i32 = arith.constant 0 : i32
    %c0_i32_0 = arith.constant 0 : i32
    %c0_i32_1 = arith.constant 0 : i32
    return %c0_i32, %c0_i32_0 : i32, i32
  }
  func.func @transform_1(%arg0: i32) -> (i32, i32) {
    %c0_i32 = arith.constant 0 : i32
    %c0_i32_0 = arith.constant 0 : i32
    %c0_i32_1 = arith.constant 0 : i32
    return %c0_i32, %c0_i32_0 : i32, i32
  }
  func.func @transform_2(%arg0: i32) -> (i32, i32) {
    %c0_i32 = arith.constant 0 : i32
    %c0_i32_0 = arith.constant 0 : i32
    %c0_i32_1 = arith.constant 0 : i32
    return %c0_i32, %c0_i32_0 : i32, i32
  }
  func.func @transform_3(%arg0: i32) -> (i32, i32) {
    %c0_i32 = arith.constant 0 : i32
    %c0_i32_0 = arith.constant 0 : i32
    %c0_i32_1 = arith.constant 0 : i32
    return %c0_i32, %c0_i32_0 : i32, i32
  }
  func.func @transform_4(%arg0: i32) -> (i32, i32) {
    %c0_i32 = arith.constant 0 : i32
    %c0_i32_0 = arith.constant 0 : i32
    %c0_i32_1 = arith.constant 0 : i32
    return %c0_i32, %c0_i32_0 : i32, i32
  }
  func.func @transform_5(%arg0: i32) -> (i32, i32, i32) {
    %c0_i32 = arith.constant 0 : i32
    %c0_i32_0 = arith.constant 0 : i32
    %c0_i32_1 = arith.constant 0 : i32
    %c0_i32_2 = arith.constant 0 : i32
    return %c0_i32, %c0_i32_0, %c0_i32_1 : i32, i32, i32
  }
  func.func @transform_6(%arg0: i32) -> (i32, i32, i32) {
    %c0_i32 = arith.constant 0 : i32
    %c0_i32_0 = arith.constant 0 : i32
    %c0_i32_1 = arith.constant 0 : i32
    %c0_i32_2 = arith.constant 0 : i32
    return %c0_i32, %c0_i32_0, %c0_i32_1 : i32, i32, i32
  }
  func.func @transform_7(%arg0: i32) -> (i32, i32, i32) {
    %c0_i32 = arith.constant 0 : i32
    %c0_i32_0 = arith.constant 0 : i32
    %c0_i32_1 = arith.constant 0 : i32
    %c0_i32_2 = arith.constant 0 : i32
    return %c0_i32, %c0_i32_0, %c0_i32_1 : i32, i32, i32
  }
}

module attributes {stable_mosaic.version = 14 : i64} {
  func.func @_lambda_(%arg0: i32, %arg1: i32, %arg2: memref<1x8x2xf32, #tpu.memory_space<vmem>>, %arg3: memref<1x2x200xf32, #tpu.memory_space<vmem>>, %arg4: memref<1x200x2xf32, #tpu.memory_space<vmem>>, %arg5: memref<1x8x200xf32, #tpu.memory_space<vmem>>, %arg6: memref<1x1x128xf32, #tpu.memory_space<vmem>>, %arg7: memref<1x64xf32, #tpu.memory_space<vmem>>, %arg8: memref<1x64xf32, #tpu.memory_space<vmem>>, %arg9: memref<1x64xf32, #tpu.memory_space<vmem>>, %arg10: memref<1x128xf32, #tpu.memory_space<vmem>>, %arg11: memref<1x128xf32, #tpu.memory_space<vmem>>, %arg12: memref<257x128xf32, #tpu.memory_space<vmem>>, %arg13: memref<1x128xf32, #tpu.memory_space<vmem>>, %arg14: memref<1x128xf32, #tpu.memory_space<vmem>>, %arg15: memref<1x128xf32, #tpu.memory_space<vmem>>, %arg16: memref<128x128xf32, #tpu.memory_space<vmem>>, %arg17: memref<1x128xf32, #tpu.memory_space<vmem>>, %arg18: memref<128x128xf32, #tpu.memory_space<vmem>>, %arg19: memref<1x128xf32, #tpu.memory_space<vmem>>, %arg20: memref<128x128xf32, #tpu.memory_space<vmem>>, %arg21: memref<1x128xf32, #tpu.memory_space<vmem>>, %arg22: memref<128x1xf32, #tpu.memory_space<vmem>>, %arg23: memref<192x128xf32, #tpu.memory_space<vmem>>, %arg24: memref<1x128xf32, #tpu.memory_space<vmem>>, %arg25: memref<1x128xf32, #tpu.memory_space<vmem>>, %arg26: memref<1x128xf32, #tpu.memory_space<vmem>>, %arg27: memref<128x64xf32, #tpu.memory_space<vmem>>, %arg28: memref<1x64xf32, #tpu.memory_space<vmem>>, %arg29: memref<1x64xf32, #tpu.memory_space<vmem>>, %arg30: memref<1x64xf32, #tpu.memory_space<vmem>>, %arg31: memref<256x128xf32, #tpu.memory_space<vmem>>, %arg32: memref<1x128xf32, #tpu.memory_space<vmem>>, %arg33: memref<1x128xf32, #tpu.memory_space<vmem>>, %arg34: memref<1x128xf32, #tpu.memory_space<vmem>>, %arg35: memref<128x128xf32, #tpu.memory_space<vmem>>, %arg36: memref<1x128xf32, #tpu.memory_space<vmem>>, %arg37: memref<1x128xf32, #tpu.memory_space<vmem>>, %arg38: memref<1x128xf32, #tpu.memory_space<vmem>>, %arg39: memref<1x8x64xf32, #tpu.memory_space<vmem>>, %arg40: memref<1x8x2xf32, #tpu.memory_space<vmem>>, %arg41: memref<1x8x200x128xf32, #tpu.memory_space<vmem>>) attributes {dimension_semantics = [#tpu.dimension_semantics<arbitrary>, #tpu.dimension_semantics<arbitrary>], iteration_bounds = array<i64: 4, 25>, scalar_prefetch = 0 : i64, scratch_operands = 0 : i64, tpu.core_type = #tpu.core_type<tc>, window_params = [{transform_indices = @transform_0, window_bounds = array<i64: 1, 8, 2>}, {transform_indices = @transform_1, window_bounds = array<i64: 1, 2, 200>}, {transform_indices = @transform_2, window_bounds = array<i64: 1, 200, 2>}, {transform_indices = @transform_3, window_bounds = array<i64: 1, 8, 200>}, {transform_indices = @transform_4, window_bounds = array<i64: 1, 1, 128>}, {pipeline_mode = #tpu.pipeline_mode<synchronous>, transform_indices = @transform_5, window_bounds = array<i64: 1, 64>}, {pipeline_mode = #tpu.pipeline_mode<synchronous>, transform_indices = @transform_6, window_bounds = array<i64: 1, 64>}, {pipeline_mode = #tpu.pipeline_mode<synchronous>, transform_indices = @transform_7, window_bounds = array<i64: 1, 64>}, {pipeline_mode = #tpu.pipeline_mode<synchronous>, transform_indices = @transform_8, window_bounds = array<i64: 1, 128>}, {pipeline_mode = #tpu.pipeline_mode<synchronous>, transform_indices = @transform_9, window_bounds = array<i64: 1, 128>}, {pipeline_mode = #tpu.pipeline_mode<synchronous>, transform_indices = @transform_10, window_bounds = array<i64: 257, 128>}, {pipeline_mode = #tpu.pipeline_mode<synchronous>, transform_indices = @transform_11, window_bounds = array<i64: 1, 128>}, {pipeline_mode = #tpu.pipeline_mode<synchronous>, transform_indices = @transform_12, window_bounds = array<i64: 1, 128>}, {pipeline_mode = #tpu.pipeline_mode<synchronous>, transform_indices = @transform_13, window_bounds = array<i64: 1, 128>}, {pipeline_mode = #tpu.pipeline_mode<synchronous>, transform_indices = @transform_14, window_bounds = array<i64: 128, 128>}, {pipeline_mode = #tpu.pipeline_mode<synchronous>, transform_indices = @transform_15, window_bounds = array<i64: 1, 128>}, {pipeline_mode = #tpu.pipeline_mode<synchronous>, transform_indices = @transform_16, window_bounds = array<i64: 128, 128>}, {pipeline_mode = #tpu.pipeline_mode<synchronous>, transform_indices = @transform_17, window_bounds = array<i64: 1, 128>}, {pipeline_mode = #tpu.pipeline_mode<synchronous>, transform_indices = @transform_18, window_bounds = array<i64: 128, 128>}, {pipeline_mode = #tpu.pipeline_mode<synchronous>, transform_indices = @transform_19, window_bounds = array<i64: 1, 128>}, {pipeline_mode = #tpu.pipeline_mode<synchronous>, transform_indices = @transform_20, window_bounds = array<i64: 128, 1>}, {pipeline_mode = #tpu.pipeline_mode<synchronous>, transform_indices = @transform_21, window_bounds = array<i64: 192, 128>}, {pipeline_mode = #tpu.pipeline_mode<synchronous>, transform_indices = @transform_22, window_bounds = array<i64: 1, 128>}, {pipeline_mode = #tpu.pipeline_mode<synchronous>, transform_indices = @transform_23, window_bounds = array<i64: 1, 128>}, {pipeline_mode = #tpu.pipeline_mode<synchronous>, transform_indices = @transform_24, window_bounds = array<i64: 1, 128>}, {pipeline_mode = #tpu.pipeline_mode<synchronous>, transform_indices = @transform_25, window_bounds = array<i64: 128, 64>}, {pipeline_mode = #tpu.pipeline_mode<synchronous>, transform_indices = @transform_26, window_bounds = array<i64: 1, 64>}, {pipeline_mode = #tpu.pipeline_mode<synchronous>, transform_indices = @transform_27, window_bounds = array<i64: 1, 64>}, {pipeline_mode = #tpu.pipeline_mode<synchronous>, transform_indices = @transform_28, window_bounds = array<i64: 1, 64>}, {pipeline_mode = #tpu.pipeline_mode<synchronous>, transform_indices = @transform_29, window_bounds = array<i64: 256, 128>}, {pipeline_mode = #tpu.pipeline_mode<synchronous>, transform_indices = @transform_30, window_bounds = array<i64: 1, 128>}, {pipeline_mode = #tpu.pipeline_mode<synchronous>, transform_indices = @transform_31, window_bounds = array<i64: 1, 128>}, {pipeline_mode = #tpu.pipeline_mode<synchronous>, transform_indices = @transform_32, window_bounds = array<i64: 1, 128>}, {pipeline_mode = #tpu.pipeline_mode<synchronous>, transform_indices = @transform_33, window_bounds = array<i64: 128, 128>}, {pipeline_mode = #tpu.pipeline_mode<synchronous>, transform_indices = @transform_34, window_bounds = array<i64: 1, 128>}, {pipeline_mode = #tpu.pipeline_mode<synchronous>, transform_indices = @transform_35, window_bounds = array<i64: 1, 128>}, {pipeline_mode = #tpu.pipeline_mode<synchronous>, transform_indices = @transform_36, window_bounds = array<i64: 1, 128>}, {transform_indices = @transform_37, window_bounds = array<i64: 1, 8, 64>}, {transform_indices = @transform_38, window_bounds = array<i64: 1, 8, 2>}, {transform_indices = @transform_39, window_bounds = array<i64: 1, 8, 200, 128>}]} {
    %get3A = arith.constant 0 : index
    %get3A_0 = arith.constant 0 : index
    %get3A_1 = arith.constant 0 : index
    %get3A_2 = vector.load %arg2[%get3A, %get3A_0, %get3A_1] : memref<1x8x2xf32, #tpu.memory_space<vmem>>, vector<1x8x2xf32>
    %get3A_3 = vector.shape_cast %get3A_2 : vector<1x8x2xf32> to vector<8x2xf32>
    %slice3A = vector.extract_strided_slice %get3A_3 {offsets = [0, 0], sizes = [8, 1], strides = [1, 1]} : vector<8x2xf32> to vector<8x1xf32>
    %slice3A_4 = vector.extract_strided_slice %get3A_3 {offsets = [0, 1], sizes = [8, 1], strides = [1, 1]} : vector<8x2xf32> to vector<8x1xf32>
    %get3A_5 = arith.constant 0 : index
    %get3A_6 = arith.constant 0 : index
    %get3A_7 = arith.constant 0 : index
    %get3A_8 = vector.load %arg3[%get3A_5, %get3A_6, %get3A_7] : memref<1x2x200xf32, #tpu.memory_space<vmem>>, vector<1x1x200xf32>
    %get3A_9 = vector.shape_cast %get3A_8 : vector<1x1x200xf32> to vector<1x200xf32>
    %get3A_10 = arith.constant 0 : index
    %get3A_11 = arith.constant 1 : index
    %get3A_12 = arith.constant 0 : index
    %get3A_13 = vector.load %arg3[%get3A_10, %get3A_11, %get3A_12] : memref<1x2x200xf32, #tpu.memory_space<vmem>>, vector<1x1x200xf32>
    %get3A_14 = vector.shape_cast %get3A_13 : vector<1x1x200xf32> to vector<1x200xf32>
    %sub3A = vector.broadcast %get3A_9 : vector<1x200xf32> to vector<8x200xf32>
    %sub3A_15 = vector.broadcast %slice3A : vector<8x1xf32> to vector<8x200xf32>
    %sub3A_16 = arith.subf %sub3A, %sub3A_15 : vector<8x200xf32>
    %sub3A_17 = vector.broadcast %get3A_14 : vector<1x200xf32> to vector<8x200xf32>
    %sub3A_18 = vector.broadcast %slice3A_4 : vector<8x1xf32> to vector<8x200xf32>
    %sub3A_19 = arith.subf %sub3A_17, %sub3A_18 : vector<8x200xf32>
    %mul3A = arith.mulf %sub3A_16, %sub3A_16 : vector<8x200xf32>
    %mul3A_20 = arith.mulf %sub3A_19, %sub3A_19 : vector<8x200xf32>
    %add3A = arith.addf %mul3A, %mul3A_20 : vector<8x200xf32>
    %sqrt3A = math.sqrt %add3A : vector<8x200xf32>
    %get3A_21 = arith.constant 0 : index
    %get3A_22 = arith.constant 0 : index
    %get3A_23 = arith.constant 0 : index
    %get3A_24 = vector.load %arg6[%get3A_21, %get3A_22, %get3A_23] : memref<1x1x128xf32, #tpu.memory_space<vmem>>, vector<1x1x128xf32>
    %get3A_25 = vector.shape_cast %get3A_24 : vector<1x1x128xf32> to vector<1x128xf32>
    %reshape3A = vector.shape_cast %get3A_25 : vector<1x128xf32> to vector<1x1x128xf32>
    %get3A_26 = arith.constant 0 : index
    %get3A_27 = arith.constant 0 : index
    %get3A_28 = arith.constant 0 : index
    %get3A_29 = vector.load %arg4[%get3A_26, %get3A_27, %get3A_28] : memref<1x200x2xf32, #tpu.memory_space<vmem>>, vector<1x200x2xf32>
    %get3A_30 = vector.shape_cast %get3A_29 : vector<1x200x2xf32> to vector<200x2xf32>
    %slice3A_31 = vector.extract_strided_slice %get3A_30 {offsets = [0, 0], sizes = [200, 1], strides = [1, 1]} : vector<200x2xf32> to vector<200x1xf32>
    %convert_element_type3A = arith.truncf %slice3A_31 : vector<200x1xf32> to vector<200x1xbf16>
    %convert_element_type3A_32 = arith.extf %convert_element_type3A : vector<200x1xbf16> to vector<200x1xf32>
    %get3A_33 = arith.constant 0 : index
    %get3A_34 = arith.constant 0 : index
    %get3A_35 = vector.load %arg7[%get3A_33, %get3A_34] : memref<1x64xf32, #tpu.memory_space<vmem>>, vector<1x64xf32>
    %convert_element_type3A_36 = arith.truncf %get3A_35 : vector<1x64xf32> to vector<1x64xbf16>
    %convert_element_type3A_37 = arith.extf %convert_element_type3A_36 : vector<1x64xbf16> to vector<1x64xf32>
    %mul3A_38 = vector.broadcast %convert_element_type3A_32 : vector<200x1xf32> to vector<200x64xf32>
    %mul3A_39 = vector.broadcast %convert_element_type3A_37 : vector<1x64xf32> to vector<200x64xf32>
    %mul3A_40 = arith.mulf %mul3A_38, %mul3A_39 : vector<200x64xf32>
    %slice3A_41 = vector.extract_strided_slice %get3A_30 {offsets = [0, 1], sizes = [200, 1], strides = [1, 1]} : vector<200x2xf32> to vector<200x1xf32>
    %convert_element_type3A_42 = arith.truncf %slice3A_41 : vector<200x1xf32> to vector<200x1xbf16>
    %convert_element_type3A_43 = arith.extf %convert_element_type3A_42 : vector<200x1xbf16> to vector<200x1xf32>
    %get3A_44 = arith.constant 0 : index
    %get3A_45 = arith.constant 0 : index
    %get3A_46 = vector.load %arg8[%get3A_44, %get3A_45] : memref<1x64xf32, #tpu.memory_space<vmem>>, vector<1x64xf32>
    %convert_element_type3A_47 = arith.truncf %get3A_46 : vector<1x64xf32> to vector<1x64xbf16>
    %convert_element_type3A_48 = arith.extf %convert_element_type3A_47 : vector<1x64xbf16> to vector<1x64xf32>
    %mul3A_49 = vector.broadcast %convert_element_type3A_43 : vector<200x1xf32> to vector<200x64xf32>
    %mul3A_50 = vector.broadcast %convert_element_type3A_48 : vector<1x64xf32> to vector<200x64xf32>
    %mul3A_51 = arith.mulf %mul3A_49, %mul3A_50 : vector<200x64xf32>
    %add3A_52 = arith.addf %mul3A_40, %mul3A_51 : vector<200x64xf32>
    %get3A_53 = arith.constant 0 : index
    %get3A_54 = arith.constant 0 : index
    %get3A_55 = vector.load %arg9[%get3A_53, %get3A_54] : memref<1x64xf32, #tpu.memory_space<vmem>>, vector<1x64xf32>
    %add3A_56 = vector.broadcast %get3A_55 : vector<1x64xf32> to vector<200x64xf32>
    %add3A_57 = arith.addf %add3A_52, %add3A_56 : vector<200x64xf32>
    %convert_element_type3A_58 = arith.truncf %slice3A : vector<8x1xf32> to vector<8x1xbf16>
    %convert_element_type3A_59 = arith.extf %convert_element_type3A_58 : vector<8x1xbf16> to vector<8x1xf32>
    %get3A_60 = arith.constant 0 : index
    %get3A_61 = arith.constant 0 : index
    %get3A_62 = vector.load %arg7[%get3A_60, %get3A_61] : memref<1x64xf32, #tpu.memory_space<vmem>>, vector<1x64xf32>
    %convert_element_type3A_63 = arith.truncf %get3A_62 : vector<1x64xf32> to vector<1x64xbf16>
    %convert_element_type3A_64 = arith.extf %convert_element_type3A_63 : vector<1x64xbf16> to vector<1x64xf32>
    %mul3A_65 = vector.broadcast %convert_element_type3A_59 : vector<8x1xf32> to vector<8x64xf32>
    %mul3A_66 = vector.broadcast %convert_element_type3A_64 : vector<1x64xf32> to vector<8x64xf32>
    %mul3A_67 = arith.mulf %mul3A_65, %mul3A_66 : vector<8x64xf32>
    %convert_element_type3A_68 = arith.truncf %slice3A_4 : vector<8x1xf32> to vector<8x1xbf16>
    %convert_element_type3A_69 = arith.extf %convert_element_type3A_68 : vector<8x1xbf16> to vector<8x1xf32>
    %get3A_70 = arith.constant 0 : index
    %get3A_71 = arith.constant 0 : index
    %get3A_72 = vector.load %arg8[%get3A_70, %get3A_71] : memref<1x64xf32, #tpu.memory_space<vmem>>, vector<1x64xf32>
    %convert_element_type3A_73 = arith.truncf %get3A_72 : vector<1x64xf32> to vector<1x64xbf16>
    %convert_element_type3A_74 = arith.extf %convert_element_type3A_73 : vector<1x64xbf16> to vector<1x64xf32>
    %mul3A_75 = vector.broadcast %convert_element_type3A_69 : vector<8x1xf32> to vector<8x64xf32>
    %mul3A_76 = vector.broadcast %convert_element_type3A_74 : vector<1x64xf32> to vector<8x64xf32>
    %mul3A_77 = arith.mulf %mul3A_75, %mul3A_76 : vector<8x64xf32>
    %add3A_78 = arith.addf %mul3A_67, %mul3A_77 : vector<8x64xf32>
    %get3A_79 = arith.constant 0 : index
    %get3A_80 = arith.constant 0 : index
    %get3A_81 = vector.load %arg9[%get3A_79, %get3A_80] : memref<1x64xf32, #tpu.memory_space<vmem>>, vector<1x64xf32>
    %add3A_82 = vector.broadcast %get3A_81 : vector<1x64xf32> to vector<8x64xf32>
    %add3A_83 = arith.addf %add3A_78, %add3A_82 : vector<8x64xf32>
    %get3A_84 = arith.constant 0 : index
    %get3A_85 = arith.constant 0 : index
    %get3A_86 = arith.constant 0 : index
    %get3A_87 = vector.load %arg5[%get3A_84, %get3A_85, %get3A_86] : memref<1x8x200xf32, #tpu.memory_space<vmem>>, vector<1x8x200xf32>
    %get3A_88 = vector.shape_cast %get3A_87 : vector<1x8x200xf32> to vector<8x200xf32>
    %broadcast_in_dim3A = vector.shape_cast %get3A_88 : vector<8x200xf32> to vector<8x200x1xf32>
    %get3A_89 = arith.constant 0 : index
    %get3A_90 = arith.constant 0 : index
    %get3A_91 = vector.load %arg10[%get3A_89, %get3A_90] : memref<1x128xf32, #tpu.memory_space<vmem>>, vector<1x128xf32>
    %reshape3A_92 = vector.shape_cast %get3A_91 : vector<1x128xf32> to vector<1x1x128xf32>
    %mul3A_93 = vector.broadcast %broadcast_in_dim3A : vector<8x200x1xf32> to vector<8x200x128xf32>
    %mul3A_94 = vector.broadcast %reshape3A_92 : vector<1x1x128xf32> to vector<8x200x128xf32>
    %mul3A_95 = arith.mulf %mul3A_93, %mul3A_94 : vector<8x200x128xf32>
    %get3A_96 = arith.constant 0 : index
    %get3A_97 = arith.constant 0 : index
    %get3A_98 = vector.load %arg11[%get3A_96, %get3A_97] : memref<1x128xf32, #tpu.memory_space<vmem>>, vector<1x128xf32>
    %reshape3A_99 = vector.shape_cast %get3A_98 : vector<1x128xf32> to vector<1x1x128xf32>
    %add3A_100 = vector.broadcast %reshape3A_99 : vector<1x1x128xf32> to vector<8x200x128xf32>
    %add3A_101 = arith.addf %mul3A_95, %add3A_100 : vector<8x200x128xf32>
    %add3A_102 = vector.broadcast %reshape3A : vector<1x1x128xf32> to vector<8x200x128xf32>
    %add3A_103 = arith.addf %add3A_101, %add3A_102 : vector<8x200x128xf32>
    %reshape3A_104 = vector.shape_cast %add3A_103 : vector<8x200x128xf32> to vector<1600x128xf32>
    %broadcast_in_dim3A_105 = vector.shape_cast %add3A_83 : vector<8x64xf32> to vector<8x1x64xf32>
    %broadcast_in_dim3A_106 = vector.shape_cast %broadcast_in_dim3A_105 : vector<8x1x64xf32> to vector<8x1x64xf32>
    %broadcast_in_dim3A_107 = vector.broadcast %broadcast_in_dim3A_106 : vector<8x1x64xf32> to vector<8x200x64xf32>
    %broadcast_in_dim3A_108 = vector.shape_cast %add3A_57 : vector<200x64xf32> to vector<1x200x64xf32>
    %broadcast_in_dim3A_109 = vector.shape_cast %broadcast_in_dim3A_108 : vector<1x200x64xf32> to vector<1x200x64xf32>
    %broadcast_in_dim3A_110 = vector.broadcast %broadcast_in_dim3A_109 : vector<1x200x64xf32> to vector<8x200x64xf32>
    %broadcast_in_dim3A_111 = vector.shape_cast %sqrt3A : vector<8x200xf32> to vector<8x200x1xf32>
    %concatenate3A = tpu.concatenate %broadcast_in_dim3A_107, %broadcast_in_dim3A_110, %broadcast_in_dim3A_111, %add3A_103 in 2 : vector<8x200x64xf32>, vector<8x200x64xf32>, vector<8x200x1xf32>, vector<8x200x128xf32> -> vector<8x200x257xf32>
    %reshape3A_112 = vector.shape_cast %concatenate3A : vector<8x200x257xf32> to vector<1600x257xf32>
    %get3A_113 = arith.constant 0 : index
    %get3A_114 = arith.constant 0 : index
    %get3A_115 = vector.load %arg12[%get3A_113, %get3A_114] : memref<257x128xf32, #tpu.memory_space<vmem>>, vector<257x128xf32>
    %dot_general3A = arith.constant dense<0.000000e+00> : vector<1600x128xf32>
    %dot_general3A_116 = tpu.matmul %reshape3A_112, %get3A_115, %dot_general3A {dimension_numbers = #tpu.dot_dimension_numbers<[1], [0], [0], [1], [0, 0, 1, 1], [], []>, transpose_lhs_hint = false} : vector<1600x257xf32>, vector<257x128xf32>, vector<1600x128xf32> -> vector<1600x128xf32>
    %get3A_117 = arith.constant 0 : index
    %get3A_118 = arith.constant 0 : index
    %get3A_119 = vector.load %arg13[%get3A_117, %get3A_118] : memref<1x128xf32, #tpu.memory_space<vmem>>, vector<1x128xf32>
    %add3A_120 = vector.broadcast %get3A_119 : vector<1x128xf32> to vector<1600x128xf32>
    %add3A_121 = arith.addf %dot_general3A_116, %add3A_120 : vector<1600x128xf32>
    %logistic3A = arith.negf %add3A_121 : vector<1600x128xf32>
    %logistic3A_122 = math.exp %logistic3A : vector<1600x128xf32>
    %logistic3A_123 = arith.constant 1.000000e+00 : f32
    %logistic3A_124 = vector.broadcast %logistic3A_123 : f32 to vector<1600x128xf32>
    %logistic3A_125 = arith.addf %logistic3A_124, %logistic3A_122 : vector<1600x128xf32>
    %logistic3A_126 = arith.divf %logistic3A_124, %logistic3A_125 : vector<1600x128xf32>
    %mul3A_127 = arith.mulf %add3A_121, %logistic3A_126 : vector<1600x128xf32>
    %get3A_128 = arith.constant 0 : index
    %get3A_129 = arith.constant 0 : index
    %get3A_130 = vector.load %arg14[%get3A_128, %get3A_129] : memref<1x128xf32, #tpu.memory_space<vmem>>, vector<1x128xf32>
    %get3A_131 = arith.constant 0 : index
    %get3A_132 = arith.constant 0 : index
    %get3A_133 = vector.load %arg15[%get3A_131, %get3A_132] : memref<1x128xf32, #tpu.memory_space<vmem>>, vector<1x128xf32>
    %transpose3A = tpu.transpose %mul3A_127, [1, 0] : vector<1600x128xf32> -> vector<128x1600xf32>
    %reduce_sum3A = arith.constant dense<0.000000e+00> : vector<1600xf32>
    %reduce_sum3A_134 = vector.multi_reduction <add>, %transpose3A, %reduce_sum3A [0] : vector<128x1600xf32> to vector<1600xf32>
    %broadcast_in_dim3A_135 = vector.shape_cast %reduce_sum3A_134 : vector<1600xf32> to vector<1x1600xf32>
    %transpose3A_136 = tpu.transpose %broadcast_in_dim3A_135, [1, 0] : vector<1x1600xf32> -> vector<1600x1xf32>
    %div3A = arith.constant 1.280000e+02 : f32
    %div3A_137 = vector.broadcast %div3A : f32 to vector<1600x1xf32>
    %div3A_138 = arith.divf %transpose3A_136, %div3A_137 : vector<1600x1xf32>
    %sub3A_139 = vector.broadcast %div3A_138 : vector<1600x1xf32> to vector<1600x128xf32>
    %sub3A_140 = arith.subf %mul3A_127, %sub3A_139 : vector<1600x128xf32>
    %mul3A_141 = arith.mulf %sub3A_140, %sub3A_140 : vector<1600x128xf32>
    %transpose3A_142 = tpu.transpose %mul3A_141, [1, 0] : vector<1600x128xf32> -> vector<128x1600xf32>
    %reduce_sum3A_143 = arith.constant dense<0.000000e+00> : vector<1600xf32>
    %reduce_sum3A_144 = vector.multi_reduction <add>, %transpose3A_142, %reduce_sum3A_143 [0] : vector<128x1600xf32> to vector<1600xf32>
    %broadcast_in_dim3A_145 = vector.shape_cast %reduce_sum3A_144 : vector<1600xf32> to vector<1x1600xf32>
    %transpose3A_146 = tpu.transpose %broadcast_in_dim3A_145, [1, 0] : vector<1x1600xf32> -> vector<1600x1xf32>
    %div3A_147 = arith.constant 1.280000e+02 : f32
    %div3A_148 = vector.broadcast %div3A_147 : f32 to vector<1600x1xf32>
    %div3A_149 = arith.divf %transpose3A_146, %div3A_148 : vector<1600x1xf32>
    %add3A_150 = arith.constant 9.99999974E-6 : f32
    %add3A_151 = vector.broadcast %add3A_150 : f32 to vector<1600x1xf32>
    %add3A_152 = arith.addf %div3A_149, %add3A_151 : vector<1600x1xf32>
    %sqrt3A_153 = math.sqrt %add3A_152 : vector<1600x1xf32>
    %div3A_154 = vector.broadcast %sqrt3A_153 : vector<1600x1xf32> to vector<1600x128xf32>
    %div3A_155 = arith.divf %sub3A_140, %div3A_154 : vector<1600x128xf32>
    %mul3A_156 = vector.broadcast %get3A_130 : vector<1x128xf32> to vector<1600x128xf32>
    %mul3A_157 = arith.mulf %div3A_155, %mul3A_156 : vector<1600x128xf32>
    %add3A_158 = vector.broadcast %get3A_133 : vector<1x128xf32> to vector<1600x128xf32>
    %add3A_159 = arith.addf %mul3A_157, %add3A_158 : vector<1600x128xf32>
    %get3A_160 = arith.constant 0 : index
    %get3A_161 = arith.constant 0 : index
    %get3A_162 = vector.load %arg16[%get3A_160, %get3A_161] : memref<128x128xf32, #tpu.memory_space<vmem>>, vector<128x128xf32>
    %dot_general3A_163 = arith.constant dense<0.000000e+00> : vector<1600x128xf32>
    %dot_general3A_164 = tpu.matmul %add3A_159, %get3A_162, %dot_general3A_163 {dimension_numbers = #tpu.dot_dimension_numbers<[1], [0], [0], [1], [0, 0, 1, 1], [], []>, transpose_lhs_hint = false} : vector<1600x128xf32>, vector<128x128xf32>, vector<1600x128xf32> -> vector<1600x128xf32>
    %get3A_165 = arith.constant 0 : index
    %get3A_166 = arith.constant 0 : index
    %get3A_167 = vector.load %arg17[%get3A_165, %get3A_166] : memref<1x128xf32, #tpu.memory_space<vmem>>, vector<1x128xf32>
    %add3A_168 = vector.broadcast %get3A_167 : vector<1x128xf32> to vector<1600x128xf32>
    %add3A_169 = arith.addf %dot_general3A_164, %add3A_168 : vector<1600x128xf32>
    %logistic3A_170 = arith.negf %add3A_169 : vector<1600x128xf32>
    %logistic3A_171 = math.exp %logistic3A_170 : vector<1600x128xf32>
    %logistic3A_172 = arith.constant 1.000000e+00 : f32
    %logistic3A_173 = vector.broadcast %logistic3A_172 : f32 to vector<1600x128xf32>
    %logistic3A_174 = arith.addf %logistic3A_173, %logistic3A_171 : vector<1600x128xf32>
    %logistic3A_175 = arith.divf %logistic3A_173, %logistic3A_174 : vector<1600x128xf32>
    %mul3A_176 = arith.mulf %add3A_169, %logistic3A_175 : vector<1600x128xf32>
    %get3A_177 = arith.constant 0 : index
    %get3A_178 = arith.constant 0 : index
    %get3A_179 = vector.load %arg18[%get3A_177, %get3A_178] : memref<128x128xf32, #tpu.memory_space<vmem>>, vector<128x128xf32>
    %dot_general3A_180 = arith.constant dense<0.000000e+00> : vector<1600x128xf32>
    %dot_general3A_181 = tpu.matmul %mul3A_176, %get3A_179, %dot_general3A_180 {dimension_numbers = #tpu.dot_dimension_numbers<[1], [0], [0], [1], [0, 0, 1, 1], [], []>, transpose_lhs_hint = false} : vector<1600x128xf32>, vector<128x128xf32>, vector<1600x128xf32> -> vector<1600x128xf32>
    %get3A_182 = arith.constant 0 : index
    %get3A_183 = arith.constant 0 : index
    %get3A_184 = vector.load %arg19[%get3A_182, %get3A_183] : memref<1x128xf32, #tpu.memory_space<vmem>>, vector<1x128xf32>
    %add3A_185 = vector.broadcast %get3A_184 : vector<1x128xf32> to vector<1600x128xf32>
    %add3A_186 = arith.addf %dot_general3A_181, %add3A_185 : vector<1600x128xf32>
    %concatenate3A_187 = tpu.concatenate %reshape3A_104, %add3A_186 in 1 : vector<1600x128xf32>, vector<1600x128xf32> -> vector<1600x256xf32>
    %get3A_188 = arith.constant 0 : index
    %get3A_189 = arith.constant 0 : index
    %get3A_190 = vector.load %arg31[%get3A_188, %get3A_189] : memref<256x128xf32, #tpu.memory_space<vmem>>, vector<256x128xf32>
    %dot_general3A_191 = arith.constant dense<0.000000e+00> : vector<1600x128xf32>
    %dot_general3A_192 = tpu.matmul %concatenate3A_187, %get3A_190, %dot_general3A_191 {dimension_numbers = #tpu.dot_dimension_numbers<[1], [0], [0], [1], [0, 0, 1, 1], [], []>, transpose_lhs_hint = false} : vector<1600x256xf32>, vector<256x128xf32>, vector<1600x128xf32> -> vector<1600x128xf32>
    %get3A_193 = arith.constant 0 : index
    %get3A_194 = arith.constant 0 : index
    %get3A_195 = vector.load %arg32[%get3A_193, %get3A_194] : memref<1x128xf32, #tpu.memory_space<vmem>>, vector<1x128xf32>
    %add3A_196 = vector.broadcast %get3A_195 : vector<1x128xf32> to vector<1600x128xf32>
    %add3A_197 = arith.addf %dot_general3A_192, %add3A_196 : vector<1600x128xf32>
    %logistic3A_198 = arith.negf %add3A_197 : vector<1600x128xf32>
    %logistic3A_199 = math.exp %logistic3A_198 : vector<1600x128xf32>
    %logistic3A_200 = arith.constant 1.000000e+00 : f32
    %logistic3A_201 = vector.broadcast %logistic3A_200 : f32 to vector<1600x128xf32>
    %logistic3A_202 = arith.addf %logistic3A_201, %logistic3A_199 : vector<1600x128xf32>
    %logistic3A_203 = arith.divf %logistic3A_201, %logistic3A_202 : vector<1600x128xf32>
    %mul3A_204 = arith.mulf %add3A_197, %logistic3A_203 : vector<1600x128xf32>
    %get3A_205 = arith.constant 0 : index
    %get3A_206 = arith.constant 0 : index
    %get3A_207 = vector.load %arg33[%get3A_205, %get3A_206] : memref<1x128xf32, #tpu.memory_space<vmem>>, vector<1x128xf32>
    %get3A_208 = arith.constant 0 : index
    %get3A_209 = arith.constant 0 : index
    %get3A_210 = vector.load %arg34[%get3A_208, %get3A_209] : memref<1x128xf32, #tpu.memory_space<vmem>>, vector<1x128xf32>
    %transpose3A_211 = tpu.transpose %mul3A_204, [1, 0] : vector<1600x128xf32> -> vector<128x1600xf32>
    %reduce_sum3A_212 = arith.constant dense<0.000000e+00> : vector<1600xf32>
    %reduce_sum3A_213 = vector.multi_reduction <add>, %transpose3A_211, %reduce_sum3A_212 [0] : vector<128x1600xf32> to vector<1600xf32>
    %broadcast_in_dim3A_214 = vector.shape_cast %reduce_sum3A_213 : vector<1600xf32> to vector<1x1600xf32>
    %transpose3A_215 = tpu.transpose %broadcast_in_dim3A_214, [1, 0] : vector<1x1600xf32> -> vector<1600x1xf32>
    %div3A_216 = arith.constant 1.280000e+02 : f32
    %div3A_217 = vector.broadcast %div3A_216 : f32 to vector<1600x1xf32>
    %div3A_218 = arith.divf %transpose3A_215, %div3A_217 : vector<1600x1xf32>
    %sub3A_219 = vector.broadcast %div3A_218 : vector<1600x1xf32> to vector<1600x128xf32>
    %sub3A_220 = arith.subf %mul3A_204, %sub3A_219 : vector<1600x128xf32>
    %mul3A_221 = arith.mulf %sub3A_220, %sub3A_220 : vector<1600x128xf32>
    %transpose3A_222 = tpu.transpose %mul3A_221, [1, 0] : vector<1600x128xf32> -> vector<128x1600xf32>
    %reduce_sum3A_223 = arith.constant dense<0.000000e+00> : vector<1600xf32>
    %reduce_sum3A_224 = vector.multi_reduction <add>, %transpose3A_222, %reduce_sum3A_223 [0] : vector<128x1600xf32> to vector<1600xf32>
    %broadcast_in_dim3A_225 = vector.shape_cast %reduce_sum3A_224 : vector<1600xf32> to vector<1x1600xf32>
    %transpose3A_226 = tpu.transpose %broadcast_in_dim3A_225, [1, 0] : vector<1x1600xf32> -> vector<1600x1xf32>
    %div3A_227 = arith.constant 1.280000e+02 : f32
    %div3A_228 = vector.broadcast %div3A_227 : f32 to vector<1600x1xf32>
    %div3A_229 = arith.divf %transpose3A_226, %div3A_228 : vector<1600x1xf32>
    %add3A_230 = arith.constant 9.99999974E-6 : f32
    %add3A_231 = vector.broadcast %add3A_230 : f32 to vector<1600x1xf32>
    %add3A_232 = arith.addf %div3A_229, %add3A_231 : vector<1600x1xf32>
    %sqrt3A_233 = math.sqrt %add3A_232 : vector<1600x1xf32>
    %div3A_234 = vector.broadcast %sqrt3A_233 : vector<1600x1xf32> to vector<1600x128xf32>
    %div3A_235 = arith.divf %sub3A_220, %div3A_234 : vector<1600x128xf32>
    %mul3A_236 = vector.broadcast %get3A_207 : vector<1x128xf32> to vector<1600x128xf32>
    %mul3A_237 = arith.mulf %div3A_235, %mul3A_236 : vector<1600x128xf32>
    %add3A_238 = vector.broadcast %get3A_210 : vector<1x128xf32> to vector<1600x128xf32>
    %add3A_239 = arith.addf %mul3A_237, %add3A_238 : vector<1600x128xf32>
    %get3A_240 = arith.constant 0 : index
    %get3A_241 = arith.constant 0 : index
    %get3A_242 = vector.load %arg35[%get3A_240, %get3A_241] : memref<128x128xf32, #tpu.memory_space<vmem>>, vector<128x128xf32>
    %dot_general3A_243 = arith.constant dense<0.000000e+00> : vector<1600x128xf32>
    %dot_general3A_244 = tpu.matmul %add3A_239, %get3A_242, %dot_general3A_243 {dimension_numbers = #tpu.dot_dimension_numbers<[1], [0], [0], [1], [0, 0, 1, 1], [], []>, transpose_lhs_hint = false} : vector<1600x128xf32>, vector<128x128xf32>, vector<1600x128xf32> -> vector<1600x128xf32>
    %get3A_245 = arith.constant 0 : index
    %get3A_246 = arith.constant 0 : index
    %get3A_247 = vector.load %arg36[%get3A_245, %get3A_246] : memref<1x128xf32, #tpu.memory_space<vmem>>, vector<1x128xf32>
    %add3A_248 = vector.broadcast %get3A_247 : vector<1x128xf32> to vector<1600x128xf32>
    %add3A_249 = arith.addf %dot_general3A_244, %add3A_248 : vector<1600x128xf32>
    %add3A_250 = arith.addf %reshape3A_104, %add3A_249 : vector<1600x128xf32>
    %get3A_251 = arith.constant 0 : index
    %get3A_252 = arith.constant 0 : index
    %get3A_253 = vector.load %arg37[%get3A_251, %get3A_252] : memref<1x128xf32, #tpu.memory_space<vmem>>, vector<1x128xf32>
    %get3A_254 = arith.constant 0 : index
    %get3A_255 = arith.constant 0 : index
    %get3A_256 = vector.load %arg38[%get3A_254, %get3A_255] : memref<1x128xf32, #tpu.memory_space<vmem>>, vector<1x128xf32>
    %transpose3A_257 = tpu.transpose %add3A_250, [1, 0] : vector<1600x128xf32> -> vector<128x1600xf32>
    %reduce_sum3A_258 = arith.constant dense<0.000000e+00> : vector<1600xf32>
    %reduce_sum3A_259 = vector.multi_reduction <add>, %transpose3A_257, %reduce_sum3A_258 [0] : vector<128x1600xf32> to vector<1600xf32>
    %broadcast_in_dim3A_260 = vector.shape_cast %reduce_sum3A_259 : vector<1600xf32> to vector<1x1600xf32>
    %transpose3A_261 = tpu.transpose %broadcast_in_dim3A_260, [1, 0] : vector<1x1600xf32> -> vector<1600x1xf32>
    %div3A_262 = arith.constant 1.280000e+02 : f32
    %div3A_263 = vector.broadcast %div3A_262 : f32 to vector<1600x1xf32>
    %div3A_264 = arith.divf %transpose3A_261, %div3A_263 : vector<1600x1xf32>
    %sub3A_265 = vector.broadcast %div3A_264 : vector<1600x1xf32> to vector<1600x128xf32>
    %sub3A_266 = arith.subf %add3A_250, %sub3A_265 : vector<1600x128xf32>
    %mul3A_267 = arith.mulf %sub3A_266, %sub3A_266 : vector<1600x128xf32>
    %transpose3A_268 = tpu.transpose %mul3A_267, [1, 0] : vector<1600x128xf32> -> vector<128x1600xf32>
    %reduce_sum3A_269 = arith.constant dense<0.000000e+00> : vector<1600xf32>
    %reduce_sum3A_270 = vector.multi_reduction <add>, %transpose3A_268, %reduce_sum3A_269 [0] : vector<128x1600xf32> to vector<1600xf32>
    %broadcast_in_dim3A_271 = vector.shape_cast %reduce_sum3A_270 : vector<1600xf32> to vector<1x1600xf32>
    %transpose3A_272 = tpu.transpose %broadcast_in_dim3A_271, [1, 0] : vector<1x1600xf32> -> vector<1600x1xf32>
    %div3A_273 = arith.constant 1.280000e+02 : f32
    %div3A_274 = vector.broadcast %div3A_273 : f32 to vector<1600x1xf32>
    %div3A_275 = arith.divf %transpose3A_272, %div3A_274 : vector<1600x1xf32>
    %add3A_276 = arith.constant 9.99999974E-6 : f32
    %add3A_277 = vector.broadcast %add3A_276 : f32 to vector<1600x1xf32>
    %add3A_278 = arith.addf %div3A_275, %add3A_277 : vector<1600x1xf32>
    %sqrt3A_279 = math.sqrt %add3A_278 : vector<1600x1xf32>
    %div3A_280 = vector.broadcast %sqrt3A_279 : vector<1600x1xf32> to vector<1600x128xf32>
    %div3A_281 = arith.divf %sub3A_266, %div3A_280 : vector<1600x128xf32>
    %mul3A_282 = vector.broadcast %get3A_253 : vector<1x128xf32> to vector<1600x128xf32>
    %mul3A_283 = arith.mulf %div3A_281, %mul3A_282 : vector<1600x128xf32>
    %add3A_284 = vector.broadcast %get3A_256 : vector<1x128xf32> to vector<1600x128xf32>
    %add3A_285 = arith.addf %mul3A_283, %add3A_284 : vector<1600x128xf32>
    %reshape3A_286 = vector.shape_cast %add3A_285 : vector<1600x128xf32> to vector<8x200x128xf32>
    %swap3A = arith.constant 0 : index
    %swap3A_287 = arith.constant 0 : index
    %swap3A_288 = arith.constant 0 : index
    %swap3A_289 = arith.constant 0 : index
    %swap3A_290 = vector.load %arg41[%swap3A, %swap3A_287, %swap3A_288, %swap3A_289] : memref<1x8x200x128xf32, #tpu.memory_space<vmem>>, vector<1x8x200x128xf32>
    %swap3A_291 = vector.shape_cast %swap3A_290 : vector<1x8x200x128xf32> to vector<8x200x128xf32>
    %swap3A_292 = vector.shape_cast %reshape3A_286 : vector<8x200x128xf32> to vector<1x8x200x128xf32>
    tpu.vector_store %arg41[%swap3A, %swap3A_287, %swap3A_288, %swap3A_289], %swap3A_292 {strides = array<i32>} : memref<1x8x200x128xf32, #tpu.memory_space<vmem>>, vector<1x8x200x128xf32>,
    %iota3A = tpu.iota {dimensions = array<i32: 0>} : vector<8x200xi32>
    %mul3A_293 = arith.constant 8 : i32
    %mul3A_294 = arith.muli %arg1, %mul3A_293 : i32
    %add3A_295 = vector.broadcast %mul3A_294 : i32 to vector<8x200xi32>
    %add3A_296 = arith.addi %iota3A, %add3A_295 : vector<8x200xi32>
    %iota3A_297 = tpu.iota {dimensions = array<i32: 1>} : vector<8x200xi32>
    %ne3A = arith.cmpi ne, %add3A_296, %iota3A_297 : vector<8x200xi32>
    %get3A_298 = arith.constant 0 : index
    %get3A_299 = arith.constant 0 : index
    %get3A_300 = vector.load %arg20[%get3A_298, %get3A_299] : memref<128x128xf32, #tpu.memory_space<vmem>>, vector<128x128xf32>
    %dot_general3A_301 = arith.constant dense<0.000000e+00> : vector<1600x128xf32>
    %dot_general3A_302 = tpu.matmul %add3A_186, %get3A_300, %dot_general3A_301 {dimension_numbers = #tpu.dot_dimension_numbers<[1], [0], [0], [1], [0, 0, 1, 1], [], []>, transpose_lhs_hint = false} : vector<1600x128xf32>, vector<128x128xf32>, vector<1600x128xf32> -> vector<1600x128xf32>
    %get3A_303 = arith.constant 0 : index
    %get3A_304 = arith.constant 0 : index
    %get3A_305 = vector.load %arg21[%get3A_303, %get3A_304] : memref<1x128xf32, #tpu.memory_space<vmem>>, vector<1x128xf32>
    %add3A_306 = vector.broadcast %get3A_305 : vector<1x128xf32> to vector<1600x128xf32>
    %add3A_307 = arith.addf %dot_general3A_302, %add3A_306 : vector<1600x128xf32>
    %logistic3A_308 = arith.negf %add3A_307 : vector<1600x128xf32>
    %logistic3A_309 = math.exp %logistic3A_308 : vector<1600x128xf32>
    %logistic3A_310 = arith.constant 1.000000e+00 : f32
    %logistic3A_311 = vector.broadcast %logistic3A_310 : f32 to vector<1600x128xf32>
    %logistic3A_312 = arith.addf %logistic3A_311, %logistic3A_309 : vector<1600x128xf32>
    %logistic3A_313 = arith.divf %logistic3A_311, %logistic3A_312 : vector<1600x128xf32>
    %mul3A_314 = arith.mulf %add3A_307, %logistic3A_313 : vector<1600x128xf32>
    %get3A_315 = arith.constant 0 : index
    %get3A_316 = arith.constant 0 : index
    %get3A_317 = vector.load %arg22[%get3A_315, %get3A_316] : memref<128x1xf32, #tpu.memory_space<vmem>>, vector<128x1xf32>
    %dot_general3A_318 = arith.constant dense<0.000000e+00> : vector<1600x1xf32>
    %dot_general3A_319 = tpu.matmul %mul3A_314, %get3A_317, %dot_general3A_318 {dimension_numbers = #tpu.dot_dimension_numbers<[1], [0], [0], [1], [0, 0, 1, 1], [], []>, transpose_lhs_hint = false} : vector<1600x128xf32>, vector<128x1xf32>, vector<1600x1xf32> -> vector<1600x1xf32>
    %reshape3A_320 = vector.shape_cast %dot_general3A_319 : vector<1600x1xf32> to vector<8x200xf32>
    %add3A_321 = arith.constant 9.99999993E-9 : f32
    %add3A_322 = vector.broadcast %add3A_321 : f32 to vector<8x200xf32>
    %add3A_323 = arith.addf %sqrt3A, %add3A_322 : vector<8x200xf32>
    %mul3A_324 = arith.mulf %reshape3A_320, %sub3A_16 : vector<8x200xf32>
    %div3A_325 = arith.divf %mul3A_324, %add3A_323 : vector<8x200xf32>
    %jit3A = arith.constant 0.000000e+00 : f32
    %broadcast_in_dim3A_326 = vector.broadcast %jit3A : f32 to vector<8x200xf32>
    %select_n3A = arith.select %ne3A, %div3A_325, %broadcast_in_dim3A_326 : vector<8x200xi1>, vector<8x200xf32>
    %reduce_sum3A_327 = arith.constant dense<0.000000e+00> : vector<8xf32>
    %reduce_sum3A_328 = vector.multi_reduction <add>, %select_n3A, %reduce_sum3A_327 [1] : vector<8x200xf32> to vector<8xf32>
    %broadcast_in_dim3A_329 = vector.shape_cast %reduce_sum3A_328 : vector<8xf32> to vector<8x1xf32>
    %mul3A_330 = arith.mulf %reshape3A_320, %sub3A_19 : vector<8x200xf32>
    %div3A_331 = arith.divf %mul3A_330, %add3A_323 : vector<8x200xf32>
    %jit3A_332 = arith.constant 0.000000e+00 : f32
    %broadcast_in_dim3A_333 = vector.broadcast %jit3A_332 : f32 to vector<8x200xf32>
    %select_n3A_334 = arith.select %ne3A, %div3A_331, %broadcast_in_dim3A_333 : vector<8x200xi1>, vector<8x200xf32>
    %reduce_sum3A_335 = arith.constant dense<0.000000e+00> : vector<8xf32>
    %reduce_sum3A_336 = vector.multi_reduction <add>, %select_n3A_334, %reduce_sum3A_335 [1] : vector<8x200xf32> to vector<8xf32>
    %broadcast_in_dim3A_337 = vector.shape_cast %reduce_sum3A_336 : vector<8xf32> to vector<8x1xf32>
    %concatenate3A_338 = tpu.concatenate %broadcast_in_dim3A_329, %broadcast_in_dim3A_337 in 1 : vector<8x1xf32>, vector<8x1xf32> -> vector<8x2xf32>
    %add3A_339 = arith.addf %get3A_3, %concatenate3A_338 : vector<8x2xf32>
    %swap3A_340 = arith.constant 0 : index
    %swap3A_341 = arith.constant 0 : index
    %swap3A_342 = arith.constant 0 : index
    %swap3A_343 = vector.load %arg40[%swap3A_340, %swap3A_341, %swap3A_342] : memref<1x8x2xf32, #tpu.memory_space<vmem>>, vector<1x8x2xf32>
    %swap3A_344 = vector.shape_cast %swap3A_343 : vector<1x8x2xf32> to vector<8x2xf32>
    %swap3A_345 = vector.shape_cast %add3A_339 : vector<8x2xf32> to vector<1x8x2xf32>
    tpu.vector_store %arg40[%swap3A_340, %swap3A_341, %swap3A_342], %swap3A_345 {strides = array<i32>} : memref<1x8x2xf32, #tpu.memory_space<vmem>>, vector<1x8x2xf32>,
    %iota3A_346 = tpu.iota {dimensions = array<i32: 0>} : vector<8x200x1xi32>
    %mul3A_347 = arith.constant 8 : i32
    %mul3A_348 = arith.muli %arg1, %mul3A_347 : i32
    %add3A_349 = vector.broadcast %mul3A_348 : i32 to vector<8x200x1xi32>
    %add3A_350 = arith.addi %iota3A_346, %add3A_349 : vector<8x200x1xi32>
    %iota3A_351 = tpu.iota {dimensions = array<i32: 1>} : vector<8x200x1xi32>
    %ne3A_352 = arith.cmpi ne, %add3A_350, %iota3A_351 : vector<8x200x1xi32>
    %reshape3A_353 = vector.shape_cast %add3A_186 : vector<1600x128xf32> to vector<8x200x128xf32>
    %jit3A_354 = arith.constant 0.000000e+00 : f32
    %broadcast_in_dim3A_355 = vector.shape_cast %ne3A_352 : vector<8x200x1xi1> to vector<8x200x1xi1>
    %broadcast_in_dim3A_356 = vector.broadcast %broadcast_in_dim3A_355 : vector<8x200x1xi1> to vector<8x200x128xi1>
    %broadcast_in_dim3A_357 = vector.broadcast %jit3A_354 : f32 to vector<8x200x128xf32>
    %select_n3A_358 = arith.select %broadcast_in_dim3A_356, %reshape3A_353, %broadcast_in_dim3A_357 : vector<8x200x128xi1>, vector<8x200x128xf32>
    %reduce_sum3A_359 = arith.constant dense<0.000000e+00> : vector<8x128xf32>
    %reduce_sum3A_360 = vector.multi_reduction <add>, %select_n3A_358, %reduce_sum3A_359 [1] : vector<8x200x128xf32> to vector<8x128xf32>
    %concatenate3A_361 = tpu.concatenate %add3A_83, %reduce_sum3A_360 in 1 : vector<8x64xf32>, vector<8x128xf32> -> vector<8x192xf32>
    %get3A_362 = arith.constant 0 : index
    %get3A_363 = arith.constant 0 : index
    %get3A_364 = vector.load %arg23[%get3A_362, %get3A_363] : memref<192x128xf32, #tpu.memory_space<vmem>>, vector<192x128xf32>
    %dot_general3A_365 = arith.constant dense<0.000000e+00> : vector<8x128xf32>
    %dot_general3A_366 = tpu.matmul %concatenate3A_361, %get3A_364, %dot_general3A_365 {dimension_numbers = #tpu.dot_dimension_numbers<[1], [0], [0], [1], [0, 0, 1, 1], [], []>, transpose_lhs_hint = false} : vector<8x192xf32>, vector<192x128xf32>, vector<8x128xf32> -> vector<8x128xf32>
    %get3A_367 = arith.constant 0 : index
    %get3A_368 = arith.constant 0 : index
    %get3A_369 = vector.load %arg24[%get3A_367, %get3A_368] : memref<1x128xf32, #tpu.memory_space<vmem>>, vector<1x128xf32>
    %add3A_370 = vector.broadcast %get3A_369 : vector<1x128xf32> to vector<8x128xf32>
    %add3A_371 = arith.addf %dot_general3A_366, %add3A_370 : vector<8x128xf32>
    %logistic3A_372 = arith.negf %add3A_371 : vector<8x128xf32>
    %logistic3A_373 = math.exp %logistic3A_372 : vector<8x128xf32>
    %logistic3A_374 = arith.constant 1.000000e+00 : f32
    %logistic3A_375 = vector.broadcast %logistic3A_374 : f32 to vector<8x128xf32>
    %logistic3A_376 = arith.addf %logistic3A_375, %logistic3A_373 : vector<8x128xf32>
    %logistic3A_377 = arith.divf %logistic3A_375, %logistic3A_376 : vector<8x128xf32>
    %mul3A_378 = arith.mulf %add3A_371, %logistic3A_377 : vector<8x128xf32>
    %get3A_379 = arith.constant 0 : index
    %get3A_380 = arith.constant 0 : index
    %get3A_381 = vector.load %arg25[%get3A_379, %get3A_380] : memref<1x128xf32, #tpu.memory_space<vmem>>, vector<1x128xf32>
    %get3A_382 = arith.constant 0 : index
    %get3A_383 = arith.constant 0 : index
    %get3A_384 = vector.load %arg26[%get3A_382, %get3A_383] : memref<1x128xf32, #tpu.memory_space<vmem>>, vector<1x128xf32>
    %transpose3A_385 = tpu.transpose %mul3A_378, [1, 0] : vector<8x128xf32> -> vector<128x8xf32>
    %reduce_sum3A_386 = arith.constant dense<0.000000e+00> : vector<8xf32>
    %reduce_sum3A_387 = vector.multi_reduction <add>, %transpose3A_385, %reduce_sum3A_386 [0] : vector<128x8xf32> to vector<8xf32>
    %broadcast_in_dim3A_388 = vector.shape_cast %reduce_sum3A_387 : vector<8xf32> to vector<1x8xf32>
    %transpose3A_389 = tpu.transpose %broadcast_in_dim3A_388, [1, 0] : vector<1x8xf32> -> vector<8x1xf32>
    %div3A_390 = arith.constant 1.280000e+02 : f32
    %div3A_391 = vector.broadcast %div3A_390 : f32 to vector<8x1xf32>
    %div3A_392 = arith.divf %transpose3A_389, %div3A_391 : vector<8x1xf32>
    %sub3A_393 = vector.broadcast %div3A_392 : vector<8x1xf32> to vector<8x128xf32>
    %sub3A_394 = arith.subf %mul3A_378, %sub3A_393 : vector<8x128xf32>
    %mul3A_395 = arith.mulf %sub3A_394, %sub3A_394 : vector<8x128xf32>
    %transpose3A_396 = tpu.transpose %mul3A_395, [1, 0] : vector<8x128xf32> -> vector<128x8xf32>
    %reduce_sum3A_397 = arith.constant dense<0.000000e+00> : vector<8xf32>
    %reduce_sum3A_398 = vector.multi_reduction <add>, %transpose3A_396, %reduce_sum3A_397 [0] : vector<128x8xf32> to vector<8xf32>
    %broadcast_in_dim3A_399 = vector.shape_cast %reduce_sum3A_398 : vector<8xf32> to vector<1x8xf32>
    %transpose3A_400 = tpu.transpose %broadcast_in_dim3A_399, [1, 0] : vector<1x8xf32> -> vector<8x1xf32>
    %div3A_401 = arith.constant 1.280000e+02 : f32
    %div3A_402 = vector.broadcast %div3A_401 : f32 to vector<8x1xf32>
    %div3A_403 = arith.divf %transpose3A_400, %div3A_402 : vector<8x1xf32>
    %add3A_404 = arith.constant 9.99999974E-6 : f32
    %add3A_405 = vector.broadcast %add3A_404 : f32 to vector<8x1xf32>
    %add3A_406 = arith.addf %div3A_403, %add3A_405 : vector<8x1xf32>
    %sqrt3A_407 = math.sqrt %add3A_406 : vector<8x1xf32>
    %div3A_408 = vector.broadcast %sqrt3A_407 : vector<8x1xf32> to vector<8x128xf32>
    %div3A_409 = arith.divf %sub3A_394, %div3A_408 : vector<8x128xf32>
    %mul3A_410 = vector.broadcast %get3A_381 : vector<1x128xf32> to vector<8x128xf32>
    %mul3A_411 = arith.mulf %div3A_409, %mul3A_410 : vector<8x128xf32>
    %add3A_412 = vector.broadcast %get3A_384 : vector<1x128xf32> to vector<8x128xf32>
    %add3A_413 = arith.addf %mul3A_411, %add3A_412 : vector<8x128xf32>
    %get3A_414 = arith.constant 0 : index
    %get3A_415 = arith.constant 0 : index
    %get3A_416 = vector.load %arg27[%get3A_414, %get3A_415] : memref<128x64xf32, #tpu.memory_space<vmem>>, vector<128x64xf32>
    %dot_general3A_417 = arith.constant dense<0.000000e+00> : vector<8x64xf32>
    %dot_general3A_418 = tpu.matmul %add3A_413, %get3A_416, %dot_general3A_417 {dimension_numbers = #tpu.dot_dimension_numbers<[1], [0], [0], [1], [0, 0, 1, 1], [], []>, transpose_lhs_hint = false} : vector<8x128xf32>, vector<128x64xf32>, vector<8x64xf32> -> vector<8x64xf32>
    %get3A_419 = arith.constant 0 : index
    %get3A_420 = arith.constant 0 : index
    %get3A_421 = vector.load %arg28[%get3A_419, %get3A_420] : memref<1x64xf32, #tpu.memory_space<vmem>>, vector<1x64xf32>
    %add3A_422 = vector.broadcast %get3A_421 : vector<1x64xf32> to vector<8x64xf32>
    %add3A_423 = arith.addf %dot_general3A_418, %add3A_422 : vector<8x64xf32>
    %add3A_424 = arith.addf %add3A_83, %add3A_423 : vector<8x64xf32>
    %get3A_425 = arith.constant 0 : index
    %get3A_426 = arith.constant 0 : index
    %get3A_427 = vector.load %arg29[%get3A_425, %get3A_426] : memref<1x64xf32, #tpu.memory_space<vmem>>, vector<1x64xf32>
    %get3A_428 = arith.constant 0 : index
    %get3A_429 = arith.constant 0 : index
    %get3A_430 = vector.load %arg30[%get3A_428, %get3A_429] : memref<1x64xf32, #tpu.memory_space<vmem>>, vector<1x64xf32>
    %transpose3A_431 = tpu.transpose %add3A_424, [1, 0] : vector<8x64xf32> -> vector<64x8xf32>
    %reduce_sum3A_432 = arith.constant dense<0.000000e+00> : vector<8xf32>
    %reduce_sum3A_433 = vector.multi_reduction <add>, %transpose3A_431, %reduce_sum3A_432 [0] : vector<64x8xf32> to vector<8xf32>
    %broadcast_in_dim3A_434 = vector.shape_cast %reduce_sum3A_433 : vector<8xf32> to vector<1x8xf32>
    %transpose3A_435 = tpu.transpose %broadcast_in_dim3A_434, [1, 0] : vector<1x8xf32> -> vector<8x1xf32>
    %div3A_436 = arith.constant 6.400000e+01 : f32
    %div3A_437 = vector.broadcast %div3A_436 : f32 to vector<8x1xf32>
    %div3A_438 = arith.divf %transpose3A_435, %div3A_437 : vector<8x1xf32>
    %sub3A_439 = vector.broadcast %div3A_438 : vector<8x1xf32> to vector<8x64xf32>
    %sub3A_440 = arith.subf %add3A_424, %sub3A_439 : vector<8x64xf32>
    %mul3A_441 = arith.mulf %sub3A_440, %sub3A_440 : vector<8x64xf32>
    %transpose3A_442 = tpu.transpose %mul3A_441, [1, 0] : vector<8x64xf32> -> vector<64x8xf32>
    %reduce_sum3A_443 = arith.constant dense<0.000000e+00> : vector<8xf32>
    %reduce_sum3A_444 = vector.multi_reduction <add>, %transpose3A_442, %reduce_sum3A_443 [0] : vector<64x8xf32> to vector<8xf32>
    %broadcast_in_dim3A_445 = vector.shape_cast %reduce_sum3A_444 : vector<8xf32> to vector<1x8xf32>
    %transpose3A_446 = tpu.transpose %broadcast_in_dim3A_445, [1, 0] : vector<1x8xf32> -> vector<8x1xf32>
    %div3A_447 = arith.constant 6.400000e+01 : f32
    %div3A_448 = vector.broadcast %div3A_447 : f32 to vector<8x1xf32>
    %div3A_449 = arith.divf %transpose3A_446, %div3A_448 : vector<8x1xf32>
    %add3A_450 = arith.constant 9.99999974E-6 : f32
    %add3A_451 = vector.broadcast %add3A_450 : f32 to vector<8x1xf32>
    %add3A_452 = arith.addf %div3A_449, %add3A_451 : vector<8x1xf32>
    %sqrt3A_453 = math.sqrt %add3A_452 : vector<8x1xf32>
    %div3A_454 = vector.broadcast %sqrt3A_453 : vector<8x1xf32> to vector<8x64xf32>
    %div3A_455 = arith.divf %sub3A_440, %div3A_454 : vector<8x64xf32>
    %mul3A_456 = vector.broadcast %get3A_427 : vector<1x64xf32> to vector<8x64xf32>
    %mul3A_457 = arith.mulf %div3A_455, %mul3A_456 : vector<8x64xf32>
    %add3A_458 = vector.broadcast %get3A_430 : vector<1x64xf32> to vector<8x64xf32>
    %add3A_459 = arith.addf %mul3A_457, %add3A_458 : vector<8x64xf32>
    %swap3A_460 = arith.constant 0 : index
    %swap3A_461 = arith.constant 0 : index
    %swap3A_462 = arith.constant 0 : index
    %swap3A_463 = vector.load %arg39[%swap3A_460, %swap3A_461, %swap3A_462] : memref<1x8x64xf32, #tpu.memory_space<vmem>>, vector<1x8x64xf32>
    %swap3A_464 = vector.shape_cast %swap3A_463 : vector<1x8x64xf32> to vector<8x64xf32>
    %swap3A_465 = vector.shape_cast %add3A_459 : vector<8x64xf32> to vector<1x8x64xf32>
    tpu.vector_store %arg39[%swap3A_460, %swap3A_461, %swap3A_462], %swap3A_465 {strides = array<i32>} : memref<1x8x64xf32, #tpu.memory_space<vmem>>, vector<1x8x64xf32>,
    return
  }
  func.func @transform_0(%arg0: i32, %arg1: i32) -> (i32, i32, i32) {
    %c0_i32 = arith.constant 0 : i32
    %c0_i32_0 = arith.constant 0 : i32
    return %arg0, %arg1, %c0_i32 : i32, i32, i32
  }
  func.func @transform_1(%arg0: i32, %arg1: i32) -> (i32, i32, i32) {
    %c0_i32 = arith.constant 0 : i32
    %c0_i32_0 = arith.constant 0 : i32
    %c0_i32_1 = arith.constant 0 : i32
    return %arg0, %c0_i32, %c0_i32_0 : i32, i32, i32
  }
  func.func @transform_2(%arg0: i32, %arg1: i32) -> (i32, i32, i32) {
    %c0_i32 = arith.constant 0 : i32
    %c0_i32_0 = arith.constant 0 : i32
    %c0_i32_1 = arith.constant 0 : i32
    return %arg0, %c0_i32, %c0_i32_0 : i32, i32, i32
  }
  func.func @transform_3(%arg0: i32, %arg1: i32) -> (i32, i32, i32) {
    %c0_i32 = arith.constant 0 : i32
    %c0_i32_0 = arith.constant 0 : i32
    return %arg0, %arg1, %c0_i32 : i32, i32, i32
  }
  func.func @transform_4(%arg0: i32, %arg1: i32) -> (i32, i32, i32) {
    %c0_i32 = arith.constant 0 : i32
    %c0_i32_0 = arith.constant 0 : i32
    %c0_i32_1 = arith.constant 0 : i32
    return %arg0, %c0_i32, %c0_i32_0 : i32, i32, i32
  }
  func.func @transform_5(%arg0: i32, %arg1: i32) -> (i32, i32) {
    %c0_i32 = arith.constant 0 : i32
    %c0_i32_0 = arith.constant 0 : i32
    %c0_i32_1 = arith.constant 0 : i32
    return %c0_i32, %c0_i32_0 : i32, i32
  }
  func.func @transform_6(%arg0: i32, %arg1: i32) -> (i32, i32) {
    %c0_i32 = arith.constant 0 : i32
    %c0_i32_0 = arith.constant 0 : i32
    %c0_i32_1 = arith.constant 0 : i32
    return %c0_i32, %c0_i32_0 : i32, i32
  }
  func.func @transform_7(%arg0: i32, %arg1: i32) -> (i32, i32) {
    %c0_i32 = arith.constant 0 : i32
    %c0_i32_0 = arith.constant 0 : i32
    %c0_i32_1 = arith.constant 0 : i32
    return %c0_i32, %c0_i32_0 : i32, i32
  }
  func.func @transform_8(%arg0: i32, %arg1: i32) -> (i32, i32) {
    %c0_i32 = arith.constant 0 : i32
    %c0_i32_0 = arith.constant 0 : i32
    %c0_i32_1 = arith.constant 0 : i32
    return %c0_i32, %c0_i32_0 : i32, i32
  }
  func.func @transform_9(%arg0: i32, %arg1: i32) -> (i32, i32) {
    %c0_i32 = arith.constant 0 : i32
    %c0_i32_0 = arith.constant 0 : i32
    %c0_i32_1 = arith.constant 0 : i32
    return %c0_i32, %c0_i32_0 : i32, i32
  }
  func.func @transform_10(%arg0: i32, %arg1: i32) -> (i32, i32) {
    %c0_i32 = arith.constant 0 : i32
    %c0_i32_0 = arith.constant 0 : i32
    %c0_i32_1 = arith.constant 0 : i32
    return %c0_i32, %c0_i32_0 : i32, i32
  }
  func.func @transform_11(%arg0: i32, %arg1: i32) -> (i32, i32) {
    %c0_i32 = arith.constant 0 : i32
    %c0_i32_0 = arith.constant 0 : i32
    %c0_i32_1 = arith.constant 0 : i32
    return %c0_i32, %c0_i32_0 : i32, i32
  }
  func.func @transform_12(%arg0: i32, %arg1: i32) -> (i32, i32) {
    %c0_i32 = arith.constant 0 : i32
    %c0_i32_0 = arith.constant 0 : i32
    %c0_i32_1 = arith.constant 0 : i32
    return %c0_i32, %c0_i32_0 : i32, i32
  }
  func.func @transform_13(%arg0: i32, %arg1: i32) -> (i32, i32) {
    %c0_i32 = arith.constant 0 : i32
    %c0_i32_0 = arith.constant 0 : i32
    %c0_i32_1 = arith.constant 0 : i32
    return %c0_i32, %c0_i32_0 : i32, i32
  }
  func.func @transform_14(%arg0: i32, %arg1: i32) -> (i32, i32) {
    %c0_i32 = arith.constant 0 : i32
    %c0_i32_0 = arith.constant 0 : i32
    %c0_i32_1 = arith.constant 0 : i32
    return %c0_i32, %c0_i32_0 : i32, i32
  }
  func.func @transform_15(%arg0: i32, %arg1: i32) -> (i32, i32) {
    %c0_i32 = arith.constant 0 : i32
    %c0_i32_0 = arith.constant 0 : i32
    %c0_i32_1 = arith.constant 0 : i32
    return %c0_i32, %c0_i32_0 : i32, i32
  }
  func.func @transform_16(%arg0: i32, %arg1: i32) -> (i32, i32) {
    %c0_i32 = arith.constant 0 : i32
    %c0_i32_0 = arith.constant 0 : i32
    %c0_i32_1 = arith.constant 0 : i32
    return %c0_i32, %c0_i32_0 : i32, i32
  }
  func.func @transform_17(%arg0: i32, %arg1: i32) -> (i32, i32) {
    %c0_i32 = arith.constant 0 : i32
    %c0_i32_0 = arith.constant 0 : i32
    %c0_i32_1 = arith.constant 0 : i32
    return %c0_i32, %c0_i32_0 : i32, i32
  }
  func.func @transform_18(%arg0: i32, %arg1: i32) -> (i32, i32) {
    %c0_i32 = arith.constant 0 : i32
    %c0_i32_0 = arith.constant 0 : i32
    %c0_i32_1 = arith.constant 0 : i32
    return %c0_i32, %c0_i32_0 : i32, i32
  }
  func.func @transform_19(%arg0: i32, %arg1: i32) -> (i32, i32) {
    %c0_i32 = arith.constant 0 : i32
    %c0_i32_0 = arith.constant 0 : i32
    %c0_i32_1 = arith.constant 0 : i32
    return %c0_i32, %c0_i32_0 : i32, i32
  }
  func.func @transform_20(%arg0: i32, %arg1: i32) -> (i32, i32) {
    %c0_i32 = arith.constant 0 : i32
    %c0_i32_0 = arith.constant 0 : i32
    %c0_i32_1 = arith.constant 0 : i32
    return %c0_i32, %c0_i32_0 : i32, i32
  }
  func.func @transform_21(%arg0: i32, %arg1: i32) -> (i32, i32) {
    %c0_i32 = arith.constant 0 : i32
    %c0_i32_0 = arith.constant 0 : i32
    %c0_i32_1 = arith.constant 0 : i32
    return %c0_i32, %c0_i32_0 : i32, i32
  }
  func.func @transform_22(%arg0: i32, %arg1: i32) -> (i32, i32) {
    %c0_i32 = arith.constant 0 : i32
    %c0_i32_0 = arith.constant 0 : i32
    %c0_i32_1 = arith.constant 0 : i32
    return %c0_i32, %c0_i32_0 : i32, i32
  }
  func.func @transform_23(%arg0: i32, %arg1: i32) -> (i32, i32) {
    %c0_i32 = arith.constant 0 : i32
    %c0_i32_0 = arith.constant 0 : i32
    %c0_i32_1 = arith.constant 0 : i32
    return %c0_i32, %c0_i32_0 : i32, i32
  }
  func.func @transform_24(%arg0: i32, %arg1: i32) -> (i32, i32) {
    %c0_i32 = arith.constant 0 : i32
    %c0_i32_0 = arith.constant 0 : i32
    %c0_i32_1 = arith.constant 0 : i32
    return %c0_i32, %c0_i32_0 : i32, i32
  }
  func.func @transform_25(%arg0: i32, %arg1: i32) -> (i32, i32) {
    %c0_i32 = arith.constant 0 : i32
    %c0_i32_0 = arith.constant 0 : i32
    %c0_i32_1 = arith.constant 0 : i32
    return %c0_i32, %c0_i32_0 : i32, i32
  }
  func.func @transform_26(%arg0: i32, %arg1: i32) -> (i32, i32) {
    %c0_i32 = arith.constant 0 : i32
    %c0_i32_0 = arith.constant 0 : i32
    %c0_i32_1 = arith.constant 0 : i32
    return %c0_i32, %c0_i32_0 : i32, i32
  }
  func.func @transform_27(%arg0: i32, %arg1: i32) -> (i32, i32) {
    %c0_i32 = arith.constant 0 : i32
    %c0_i32_0 = arith.constant 0 : i32
    %c0_i32_1 = arith.constant 0 : i32
    return %c0_i32, %c0_i32_0 : i32, i32
  }
  func.func @transform_28(%arg0: i32, %arg1: i32) -> (i32, i32) {
    %c0_i32 = arith.constant 0 : i32
    %c0_i32_0 = arith.constant 0 : i32
    %c0_i32_1 = arith.constant 0 : i32
    return %c0_i32, %c0_i32_0 : i32, i32
  }
  func.func @transform_29(%arg0: i32, %arg1: i32) -> (i32, i32) {
    %c0_i32 = arith.constant 0 : i32
    %c0_i32_0 = arith.constant 0 : i32
    %c0_i32_1 = arith.constant 0 : i32
    return %c0_i32, %c0_i32_0 : i32, i32
  }
  func.func @transform_30(%arg0: i32, %arg1: i32) -> (i32, i32) {
    %c0_i32 = arith.constant 0 : i32
    %c0_i32_0 = arith.constant 0 : i32
    %c0_i32_1 = arith.constant 0 : i32
    return %c0_i32, %c0_i32_0 : i32, i32
  }
  func.func @transform_31(%arg0: i32, %arg1: i32) -> (i32, i32) {
    %c0_i32 = arith.constant 0 : i32
    %c0_i32_0 = arith.constant 0 : i32
    %c0_i32_1 = arith.constant 0 : i32
    return %c0_i32, %c0_i32_0 : i32, i32
  }
  func.func @transform_32(%arg0: i32, %arg1: i32) -> (i32, i32) {
    %c0_i32 = arith.constant 0 : i32
    %c0_i32_0 = arith.constant 0 : i32
    %c0_i32_1 = arith.constant 0 : i32
    return %c0_i32, %c0_i32_0 : i32, i32
  }
  func.func @transform_33(%arg0: i32, %arg1: i32) -> (i32, i32) {
    %c0_i32 = arith.constant 0 : i32
    %c0_i32_0 = arith.constant 0 : i32
    %c0_i32_1 = arith.constant 0 : i32
    return %c0_i32, %c0_i32_0 : i32, i32
  }
  func.func @transform_34(%arg0: i32, %arg1: i32) -> (i32, i32) {
    %c0_i32 = arith.constant 0 : i32
    %c0_i32_0 = arith.constant 0 : i32
    %c0_i32_1 = arith.constant 0 : i32
    return %c0_i32, %c0_i32_0 : i32, i32
  }
  func.func @transform_35(%arg0: i32, %arg1: i32) -> (i32, i32) {
    %c0_i32 = arith.constant 0 : i32
    %c0_i32_0 = arith.constant 0 : i32
    %c0_i32_1 = arith.constant 0 : i32
    return %c0_i32, %c0_i32_0 : i32, i32
  }
  func.func @transform_36(%arg0: i32, %arg1: i32) -> (i32, i32) {
    %c0_i32 = arith.constant 0 : i32
    %c0_i32_0 = arith.constant 0 : i32
    %c0_i32_1 = arith.constant 0 : i32
    return %c0_i32, %c0_i32_0 : i32, i32
  }
  func.func @transform_37(%arg0: i32, %arg1: i32) -> (i32, i32, i32) {
    %c0_i32 = arith.constant 0 : i32
    %c0_i32_0 = arith.constant 0 : i32
    return %arg0, %arg1, %c0_i32 : i32, i32, i32
  }
  func.func @transform_38(%arg0: i32, %arg1: i32) -> (i32, i32, i32) {
    %c0_i32 = arith.constant 0 : i32
    %c0_i32_0 = arith.constant 0 : i32
    return %arg0, %arg1, %c0_i32 : i32, i32, i32
  }
  func.func @transform_39(%arg0: i32, %arg1: i32) -> (i32, i32, i32, i32) {
    %c0_i32 = arith.constant 0 : i32
    %c0_i32_0 = arith.constant 0 : i32
    %c0_i32_1 = arith.constant 0 : i32
    return %arg0, %arg1, %c0_i32, %c0_i32_0 : i32, i32, i32, i32
  }
}

module attributes {stable_mosaic.version = 14 : i64} {
  func.func @_lambda_(%arg0: i32, %arg1: i32, %arg2: memref<1x8x2xf32, #tpu.memory_space<vmem>>, %arg3: memref<1x2x200xf32, #tpu.memory_space<vmem>>, %arg4: memref<1x8x64xf32, #tpu.memory_space<vmem>>, %arg5: memref<1x200x64xf32, #tpu.memory_space<vmem>>, %arg6: memref<1x8x200x128xf32, #tpu.memory_space<vmem>>, %arg7: memref<1x1x128xf32, #tpu.memory_space<vmem>>, %arg8: memref<257x128xf32, #tpu.memory_space<vmem>>, %arg9: memref<1x128xf32, #tpu.memory_space<vmem>>, %arg10: memref<1x128xf32, #tpu.memory_space<vmem>>, %arg11: memref<1x128xf32, #tpu.memory_space<vmem>>, %arg12: memref<128x128xf32, #tpu.memory_space<vmem>>, %arg13: memref<1x128xf32, #tpu.memory_space<vmem>>, %arg14: memref<128x128xf32, #tpu.memory_space<vmem>>, %arg15: memref<1x128xf32, #tpu.memory_space<vmem>>, %arg16: memref<256x128xf32, #tpu.memory_space<vmem>>, %arg17: memref<1x128xf32, #tpu.memory_space<vmem>>, %arg18: memref<1x128xf32, #tpu.memory_space<vmem>>, %arg19: memref<1x128xf32, #tpu.memory_space<vmem>>, %arg20: memref<128x128xf32, #tpu.memory_space<vmem>>, %arg21: memref<1x128xf32, #tpu.memory_space<vmem>>, %arg22: memref<1x128xf32, #tpu.memory_space<vmem>>, %arg23: memref<1x128xf32, #tpu.memory_space<vmem>>, %arg24: memref<1x128xf32, #tpu.memory_space<vmem>>, %arg25: memref<1x128xf32, #tpu.memory_space<vmem>>, %arg26: memref<128x128xf32, #tpu.memory_space<vmem>>, %arg27: memref<1x128xf32, #tpu.memory_space<vmem>>, %arg28: memref<1x128xf32, #tpu.memory_space<vmem>>, %arg29: memref<1x128xf32, #tpu.memory_space<vmem>>, %arg30: memref<128x64xf32, #tpu.memory_space<vmem>>, %arg31: memref<1x64xf32, #tpu.memory_space<vmem>>, %arg32: memref<64x2xf32, #tpu.memory_space<vmem>>, %arg33: memref<1x2xf32, #tpu.memory_space<vmem>>, %arg34: memref<1x8x200x2xf32, #tpu.memory_space<vmem>>) attributes {dimension_semantics = [#tpu.dimension_semantics<arbitrary>, #tpu.dimension_semantics<arbitrary>], iteration_bounds = array<i64: 4, 25>, scalar_prefetch = 0 : i64, scratch_operands = 0 : i64, tpu.core_type = #tpu.core_type<tc>, window_params = [{transform_indices = @transform_0, window_bounds = array<i64: 1, 8, 2>}, {transform_indices = @transform_1, window_bounds = array<i64: 1, 2, 200>}, {transform_indices = @transform_2, window_bounds = array<i64: 1, 8, 64>}, {transform_indices = @transform_3, window_bounds = array<i64: 1, 200, 64>}, {transform_indices = @transform_4, window_bounds = array<i64: 1, 8, 200, 128>}, {transform_indices = @transform_5, window_bounds = array<i64: 1, 1, 128>}, {pipeline_mode = #tpu.pipeline_mode<synchronous>, transform_indices = @transform_6, window_bounds = array<i64: 257, 128>}, {pipeline_mode = #tpu.pipeline_mode<synchronous>, transform_indices = @transform_7, window_bounds = array<i64: 1, 128>}, {pipeline_mode = #tpu.pipeline_mode<synchronous>, transform_indices = @transform_8, window_bounds = array<i64: 1, 128>}, {pipeline_mode = #tpu.pipeline_mode<synchronous>, transform_indices = @transform_9, window_bounds = array<i64: 1, 128>}, {pipeline_mode = #tpu.pipeline_mode<synchronous>, transform_indices = @transform_10, window_bounds = array<i64: 128, 128>}, {pipeline_mode = #tpu.pipeline_mode<synchronous>, transform_indices = @transform_11, window_bounds = array<i64: 1, 128>}, {pipeline_mode = #tpu.pipeline_mode<synchronous>, transform_indices = @transform_12, window_bounds = array<i64: 128, 128>}, {pipeline_mode = #tpu.pipeline_mode<synchronous>, transform_indices = @transform_13, window_bounds = array<i64: 1, 128>}, {pipeline_mode = #tpu.pipeline_mode<synchronous>, transform_indices = @transform_14, window_bounds = array<i64: 256, 128>}, {pipeline_mode = #tpu.pipeline_mode<synchronous>, transform_indices = @transform_15, window_bounds = array<i64: 1, 128>}, {pipeline_mode = #tpu.pipeline_mode<synchronous>, transform_indices = @transform_16, window_bounds = array<i64: 1, 128>}, {pipeline_mode = #tpu.pipeline_mode<synchronous>, transform_indices = @transform_17, window_bounds = array<i64: 1, 128>}, {pipeline_mode = #tpu.pipeline_mode<synchronous>, transform_indices = @transform_18, window_bounds = array<i64: 128, 128>}, {pipeline_mode = #tpu.pipeline_mode<synchronous>, transform_indices = @transform_19, window_bounds = array<i64: 1, 128>}, {pipeline_mode = #tpu.pipeline_mode<synchronous>, transform_indices = @transform_20, window_bounds = array<i64: 1, 128>}, {pipeline_mode = #tpu.pipeline_mode<synchronous>, transform_indices = @transform_21, window_bounds = array<i64: 1, 128>}, {pipeline_mode = #tpu.pipeline_mode<synchronous>, transform_indices = @transform_22, window_bounds = array<i64: 1, 128>}, {pipeline_mode = #tpu.pipeline_mode<synchronous>, transform_indices = @transform_23, window_bounds = array<i64: 1, 128>}, {pipeline_mode = #tpu.pipeline_mode<synchronous>, transform_indices = @transform_24, window_bounds = array<i64: 128, 128>}, {pipeline_mode = #tpu.pipeline_mode<synchronous>, transform_indices = @transform_25, window_bounds = array<i64: 1, 128>}, {pipeline_mode = #tpu.pipeline_mode<synchronous>, transform_indices = @transform_26, window_bounds = array<i64: 1, 128>}, {pipeline_mode = #tpu.pipeline_mode<synchronous>, transform_indices = @transform_27, window_bounds = array<i64: 1, 128>}, {pipeline_mode = #tpu.pipeline_mode<synchronous>, transform_indices = @transform_28, window_bounds = array<i64: 128, 64>}, {pipeline_mode = #tpu.pipeline_mode<synchronous>, transform_indices = @transform_29, window_bounds = array<i64: 1, 64>}, {pipeline_mode = #tpu.pipeline_mode<synchronous>, transform_indices = @transform_30, window_bounds = array<i64: 64, 2>}, {pipeline_mode = #tpu.pipeline_mode<synchronous>, transform_indices = @transform_31, window_bounds = array<i64: 1, 2>}, {transform_indices = @transform_32, window_bounds = array<i64: 1, 8, 200, 2>}]} {
    %get3A = arith.constant 0 : index
    %get3A_0 = arith.constant 0 : index
    %get3A_1 = arith.constant 0 : index
    %get3A_2 = vector.load %arg2[%get3A, %get3A_0, %get3A_1] : memref<1x8x2xf32, #tpu.memory_space<vmem>>, vector<1x8x2xf32>
    %get3A_3 = vector.shape_cast %get3A_2 : vector<1x8x2xf32> to vector<8x2xf32>
    %slice3A = vector.extract_strided_slice %get3A_3 {offsets = [0, 0], sizes = [8, 1], strides = [1, 1]} : vector<8x2xf32> to vector<8x1xf32>
    %slice3A_4 = vector.extract_strided_slice %get3A_3 {offsets = [0, 1], sizes = [8, 1], strides = [1, 1]} : vector<8x2xf32> to vector<8x1xf32>
    %get3A_5 = arith.constant 0 : index
    %get3A_6 = arith.constant 0 : index
    %get3A_7 = arith.constant 0 : index
    %get3A_8 = vector.load %arg3[%get3A_5, %get3A_6, %get3A_7] : memref<1x2x200xf32, #tpu.memory_space<vmem>>, vector<1x1x200xf32>
    %get3A_9 = vector.shape_cast %get3A_8 : vector<1x1x200xf32> to vector<1x200xf32>
    %get3A_10 = arith.constant 0 : index
    %get3A_11 = arith.constant 1 : index
    %get3A_12 = arith.constant 0 : index
    %get3A_13 = vector.load %arg3[%get3A_10, %get3A_11, %get3A_12] : memref<1x2x200xf32, #tpu.memory_space<vmem>>, vector<1x1x200xf32>
    %get3A_14 = vector.shape_cast %get3A_13 : vector<1x1x200xf32> to vector<1x200xf32>
    %sub3A = vector.broadcast %get3A_9 : vector<1x200xf32> to vector<8x200xf32>
    %sub3A_15 = vector.broadcast %slice3A : vector<8x1xf32> to vector<8x200xf32>
    %sub3A_16 = arith.subf %sub3A, %sub3A_15 : vector<8x200xf32>
    %sub3A_17 = vector.broadcast %get3A_14 : vector<1x200xf32> to vector<8x200xf32>
    %sub3A_18 = vector.broadcast %slice3A_4 : vector<8x1xf32> to vector<8x200xf32>
    %sub3A_19 = arith.subf %sub3A_17, %sub3A_18 : vector<8x200xf32>
    %mul3A = arith.mulf %sub3A_16, %sub3A_16 : vector<8x200xf32>
    %mul3A_20 = arith.mulf %sub3A_19, %sub3A_19 : vector<8x200xf32>
    %add3A = arith.addf %mul3A, %mul3A_20 : vector<8x200xf32>
    %sqrt3A = math.sqrt %add3A : vector<8x200xf32>
    %get3A_21 = arith.constant 0 : index
    %get3A_22 = arith.constant 0 : index
    %get3A_23 = arith.constant 0 : index
    %get3A_24 = vector.load %arg7[%get3A_21, %get3A_22, %get3A_23] : memref<1x1x128xf32, #tpu.memory_space<vmem>>, vector<1x1x128xf32>
    %get3A_25 = vector.shape_cast %get3A_24 : vector<1x1x128xf32> to vector<1x128xf32>
    %reshape3A = vector.shape_cast %get3A_25 : vector<1x128xf32> to vector<1x1x128xf32>
    %get3A_26 = arith.constant 0 : index
    %get3A_27 = arith.constant 0 : index
    %get3A_28 = arith.constant 0 : index
    %get3A_29 = vector.load %arg5[%get3A_26, %get3A_27, %get3A_28] : memref<1x200x64xf32, #tpu.memory_space<vmem>>, vector<1x200x64xf32>
    %get3A_30 = vector.shape_cast %get3A_29 : vector<1x200x64xf32> to vector<200x64xf32>
    %get3A_31 = arith.constant 0 : index
    %get3A_32 = arith.constant 0 : index
    %get3A_33 = arith.constant 0 : index
    %get3A_34 = vector.load %arg4[%get3A_31, %get3A_32, %get3A_33] : memref<1x8x64xf32, #tpu.memory_space<vmem>>, vector<1x8x64xf32>
    %get3A_35 = vector.shape_cast %get3A_34 : vector<1x8x64xf32> to vector<8x64xf32>
    %get3A_36 = arith.constant 0 : index
    %get3A_37 = arith.constant 0 : index
    %get3A_38 = arith.constant 0 : index
    %get3A_39 = arith.constant 0 : index
    %get3A_40 = vector.load %arg6[%get3A_36, %get3A_37, %get3A_38, %get3A_39] : memref<1x8x200x128xf32, #tpu.memory_space<vmem>>, vector<1x8x200x128xf32>
    %get3A_41 = vector.shape_cast %get3A_40 : vector<1x8x200x128xf32> to vector<8x200x128xf32>
    %add3A_42 = vector.broadcast %reshape3A : vector<1x1x128xf32> to vector<8x200x128xf32>
    %add3A_43 = arith.addf %get3A_41, %add3A_42 : vector<8x200x128xf32>
    %reshape3A_44 = vector.shape_cast %add3A_43 : vector<8x200x128xf32> to vector<1600x128xf32>
    %broadcast_in_dim3A = vector.shape_cast %get3A_35 : vector<8x64xf32> to vector<8x1x64xf32>
    %broadcast_in_dim3A_45 = vector.shape_cast %broadcast_in_dim3A : vector<8x1x64xf32> to vector<8x1x64xf32>
    %broadcast_in_dim3A_46 = vector.broadcast %broadcast_in_dim3A_45 : vector<8x1x64xf32> to vector<8x200x64xf32>
    %broadcast_in_dim3A_47 = vector.shape_cast %get3A_30 : vector<200x64xf32> to vector<1x200x64xf32>
    %broadcast_in_dim3A_48 = vector.shape_cast %broadcast_in_dim3A_47 : vector<1x200x64xf32> to vector<1x200x64xf32>
    %broadcast_in_dim3A_49 = vector.broadcast %broadcast_in_dim3A_48 : vector<1x200x64xf32> to vector<8x200x64xf32>
    %broadcast_in_dim3A_50 = vector.shape_cast %sqrt3A : vector<8x200xf32> to vector<8x200x1xf32>
    %concatenate3A = tpu.concatenate %broadcast_in_dim3A_46, %broadcast_in_dim3A_49, %broadcast_in_dim3A_50, %add3A_43 in 2 : vector<8x200x64xf32>, vector<8x200x64xf32>, vector<8x200x1xf32>, vector<8x200x128xf32> -> vector<8x200x257xf32>
    %reshape3A_51 = vector.shape_cast %concatenate3A : vector<8x200x257xf32> to vector<1600x257xf32>
    %get3A_52 = arith.constant 0 : index
    %get3A_53 = arith.constant 0 : index
    %get3A_54 = vector.load %arg8[%get3A_52, %get3A_53] : memref<257x128xf32, #tpu.memory_space<vmem>>, vector<257x128xf32>
    %dot_general3A = arith.constant dense<0.000000e+00> : vector<1600x128xf32>
    %dot_general3A_55 = tpu.matmul %reshape3A_51, %get3A_54, %dot_general3A {dimension_numbers = #tpu.dot_dimension_numbers<[1], [0], [0], [1], [0, 0, 1, 1], [], []>, transpose_lhs_hint = false} : vector<1600x257xf32>, vector<257x128xf32>, vector<1600x128xf32> -> vector<1600x128xf32>
    %get3A_56 = arith.constant 0 : index
    %get3A_57 = arith.constant 0 : index
    %get3A_58 = vector.load %arg9[%get3A_56, %get3A_57] : memref<1x128xf32, #tpu.memory_space<vmem>>, vector<1x128xf32>
    %add3A_59 = vector.broadcast %get3A_58 : vector<1x128xf32> to vector<1600x128xf32>
    %add3A_60 = arith.addf %dot_general3A_55, %add3A_59 : vector<1600x128xf32>
    %logistic3A = arith.negf %add3A_60 : vector<1600x128xf32>
    %logistic3A_61 = math.exp %logistic3A : vector<1600x128xf32>
    %logistic3A_62 = arith.constant 1.000000e+00 : f32
    %logistic3A_63 = vector.broadcast %logistic3A_62 : f32 to vector<1600x128xf32>
    %logistic3A_64 = arith.addf %logistic3A_63, %logistic3A_61 : vector<1600x128xf32>
    %logistic3A_65 = arith.divf %logistic3A_63, %logistic3A_64 : vector<1600x128xf32>
    %mul3A_66 = arith.mulf %add3A_60, %logistic3A_65 : vector<1600x128xf32>
    %get3A_67 = arith.constant 0 : index
    %get3A_68 = arith.constant 0 : index
    %get3A_69 = vector.load %arg10[%get3A_67, %get3A_68] : memref<1x128xf32, #tpu.memory_space<vmem>>, vector<1x128xf32>
    %get3A_70 = arith.constant 0 : index
    %get3A_71 = arith.constant 0 : index
    %get3A_72 = vector.load %arg11[%get3A_70, %get3A_71] : memref<1x128xf32, #tpu.memory_space<vmem>>, vector<1x128xf32>
    %transpose3A = tpu.transpose %mul3A_66, [1, 0] : vector<1600x128xf32> -> vector<128x1600xf32>
    %reduce_sum3A = arith.constant dense<0.000000e+00> : vector<1600xf32>
    %reduce_sum3A_73 = vector.multi_reduction <add>, %transpose3A, %reduce_sum3A [0] : vector<128x1600xf32> to vector<1600xf32>
    %broadcast_in_dim3A_74 = vector.shape_cast %reduce_sum3A_73 : vector<1600xf32> to vector<1x1600xf32>
    %transpose3A_75 = tpu.transpose %broadcast_in_dim3A_74, [1, 0] : vector<1x1600xf32> -> vector<1600x1xf32>
    %div3A = arith.constant 1.280000e+02 : f32
    %div3A_76 = vector.broadcast %div3A : f32 to vector<1600x1xf32>
    %div3A_77 = arith.divf %transpose3A_75, %div3A_76 : vector<1600x1xf32>
    %sub3A_78 = vector.broadcast %div3A_77 : vector<1600x1xf32> to vector<1600x128xf32>
    %sub3A_79 = arith.subf %mul3A_66, %sub3A_78 : vector<1600x128xf32>
    %mul3A_80 = arith.mulf %sub3A_79, %sub3A_79 : vector<1600x128xf32>
    %transpose3A_81 = tpu.transpose %mul3A_80, [1, 0] : vector<1600x128xf32> -> vector<128x1600xf32>
    %reduce_sum3A_82 = arith.constant dense<0.000000e+00> : vector<1600xf32>
    %reduce_sum3A_83 = vector.multi_reduction <add>, %transpose3A_81, %reduce_sum3A_82 [0] : vector<128x1600xf32> to vector<1600xf32>
    %broadcast_in_dim3A_84 = vector.shape_cast %reduce_sum3A_83 : vector<1600xf32> to vector<1x1600xf32>
    %transpose3A_85 = tpu.transpose %broadcast_in_dim3A_84, [1, 0] : vector<1x1600xf32> -> vector<1600x1xf32>
    %div3A_86 = arith.constant 1.280000e+02 : f32
    %div3A_87 = vector.broadcast %div3A_86 : f32 to vector<1600x1xf32>
    %div3A_88 = arith.divf %transpose3A_85, %div3A_87 : vector<1600x1xf32>
    %add3A_89 = arith.constant 9.99999974E-6 : f32
    %add3A_90 = vector.broadcast %add3A_89 : f32 to vector<1600x1xf32>
    %add3A_91 = arith.addf %div3A_88, %add3A_90 : vector<1600x1xf32>
    %sqrt3A_92 = math.sqrt %add3A_91 : vector<1600x1xf32>
    %div3A_93 = vector.broadcast %sqrt3A_92 : vector<1600x1xf32> to vector<1600x128xf32>
    %div3A_94 = arith.divf %sub3A_79, %div3A_93 : vector<1600x128xf32>
    %mul3A_95 = vector.broadcast %get3A_69 : vector<1x128xf32> to vector<1600x128xf32>
    %mul3A_96 = arith.mulf %div3A_94, %mul3A_95 : vector<1600x128xf32>
    %add3A_97 = vector.broadcast %get3A_72 : vector<1x128xf32> to vector<1600x128xf32>
    %add3A_98 = arith.addf %mul3A_96, %add3A_97 : vector<1600x128xf32>
    %get3A_99 = arith.constant 0 : index
    %get3A_100 = arith.constant 0 : index
    %get3A_101 = vector.load %arg12[%get3A_99, %get3A_100] : memref<128x128xf32, #tpu.memory_space<vmem>>, vector<128x128xf32>
    %dot_general3A_102 = arith.constant dense<0.000000e+00> : vector<1600x128xf32>
    %dot_general3A_103 = tpu.matmul %add3A_98, %get3A_101, %dot_general3A_102 {dimension_numbers = #tpu.dot_dimension_numbers<[1], [0], [0], [1], [0, 0, 1, 1], [], []>, transpose_lhs_hint = false} : vector<1600x128xf32>, vector<128x128xf32>, vector<1600x128xf32> -> vector<1600x128xf32>
    %get3A_104 = arith.constant 0 : index
    %get3A_105 = arith.constant 0 : index
    %get3A_106 = vector.load %arg13[%get3A_104, %get3A_105] : memref<1x128xf32, #tpu.memory_space<vmem>>, vector<1x128xf32>
    %add3A_107 = vector.broadcast %get3A_106 : vector<1x128xf32> to vector<1600x128xf32>
    %add3A_108 = arith.addf %dot_general3A_103, %add3A_107 : vector<1600x128xf32>
    %logistic3A_109 = arith.negf %add3A_108 : vector<1600x128xf32>
    %logistic3A_110 = math.exp %logistic3A_109 : vector<1600x128xf32>
    %logistic3A_111 = arith.constant 1.000000e+00 : f32
    %logistic3A_112 = vector.broadcast %logistic3A_111 : f32 to vector<1600x128xf32>
    %logistic3A_113 = arith.addf %logistic3A_112, %logistic3A_110 : vector<1600x128xf32>
    %logistic3A_114 = arith.divf %logistic3A_112, %logistic3A_113 : vector<1600x128xf32>
    %mul3A_115 = arith.mulf %add3A_108, %logistic3A_114 : vector<1600x128xf32>
    %get3A_116 = arith.constant 0 : index
    %get3A_117 = arith.constant 0 : index
    %get3A_118 = vector.load %arg14[%get3A_116, %get3A_117] : memref<128x128xf32, #tpu.memory_space<vmem>>, vector<128x128xf32>
    %dot_general3A_119 = arith.constant dense<0.000000e+00> : vector<1600x128xf32>
    %dot_general3A_120 = tpu.matmul %mul3A_115, %get3A_118, %dot_general3A_119 {dimension_numbers = #tpu.dot_dimension_numbers<[1], [0], [0], [1], [0, 0, 1, 1], [], []>, transpose_lhs_hint = false} : vector<1600x128xf32>, vector<128x128xf32>, vector<1600x128xf32> -> vector<1600x128xf32>
    %get3A_121 = arith.constant 0 : index
    %get3A_122 = arith.constant 0 : index
    %get3A_123 = vector.load %arg15[%get3A_121, %get3A_122] : memref<1x128xf32, #tpu.memory_space<vmem>>, vector<1x128xf32>
    %add3A_124 = vector.broadcast %get3A_123 : vector<1x128xf32> to vector<1600x128xf32>
    %add3A_125 = arith.addf %dot_general3A_120, %add3A_124 : vector<1600x128xf32>
    %concatenate3A_126 = tpu.concatenate %reshape3A_44, %add3A_125 in 1 : vector<1600x128xf32>, vector<1600x128xf32> -> vector<1600x256xf32>
    %get3A_127 = arith.constant 0 : index
    %get3A_128 = arith.constant 0 : index
    %get3A_129 = vector.load %arg16[%get3A_127, %get3A_128] : memref<256x128xf32, #tpu.memory_space<vmem>>, vector<256x128xf32>
    %dot_general3A_130 = arith.constant dense<0.000000e+00> : vector<1600x128xf32>
    %dot_general3A_131 = tpu.matmul %concatenate3A_126, %get3A_129, %dot_general3A_130 {dimension_numbers = #tpu.dot_dimension_numbers<[1], [0], [0], [1], [0, 0, 1, 1], [], []>, transpose_lhs_hint = false} : vector<1600x256xf32>, vector<256x128xf32>, vector<1600x128xf32> -> vector<1600x128xf32>
    %get3A_132 = arith.constant 0 : index
    %get3A_133 = arith.constant 0 : index
    %get3A_134 = vector.load %arg17[%get3A_132, %get3A_133] : memref<1x128xf32, #tpu.memory_space<vmem>>, vector<1x128xf32>
    %add3A_135 = vector.broadcast %get3A_134 : vector<1x128xf32> to vector<1600x128xf32>
    %add3A_136 = arith.addf %dot_general3A_131, %add3A_135 : vector<1600x128xf32>
    %logistic3A_137 = arith.negf %add3A_136 : vector<1600x128xf32>
    %logistic3A_138 = math.exp %logistic3A_137 : vector<1600x128xf32>
    %logistic3A_139 = arith.constant 1.000000e+00 : f32
    %logistic3A_140 = vector.broadcast %logistic3A_139 : f32 to vector<1600x128xf32>
    %logistic3A_141 = arith.addf %logistic3A_140, %logistic3A_138 : vector<1600x128xf32>
    %logistic3A_142 = arith.divf %logistic3A_140, %logistic3A_141 : vector<1600x128xf32>
    %mul3A_143 = arith.mulf %add3A_136, %logistic3A_142 : vector<1600x128xf32>
    %get3A_144 = arith.constant 0 : index
    %get3A_145 = arith.constant 0 : index
    %get3A_146 = vector.load %arg18[%get3A_144, %get3A_145] : memref<1x128xf32, #tpu.memory_space<vmem>>, vector<1x128xf32>
    %get3A_147 = arith.constant 0 : index
    %get3A_148 = arith.constant 0 : index
    %get3A_149 = vector.load %arg19[%get3A_147, %get3A_148] : memref<1x128xf32, #tpu.memory_space<vmem>>, vector<1x128xf32>
    %transpose3A_150 = tpu.transpose %mul3A_143, [1, 0] : vector<1600x128xf32> -> vector<128x1600xf32>
    %reduce_sum3A_151 = arith.constant dense<0.000000e+00> : vector<1600xf32>
    %reduce_sum3A_152 = vector.multi_reduction <add>, %transpose3A_150, %reduce_sum3A_151 [0] : vector<128x1600xf32> to vector<1600xf32>
    %broadcast_in_dim3A_153 = vector.shape_cast %reduce_sum3A_152 : vector<1600xf32> to vector<1x1600xf32>
    %transpose3A_154 = tpu.transpose %broadcast_in_dim3A_153, [1, 0] : vector<1x1600xf32> -> vector<1600x1xf32>
    %div3A_155 = arith.constant 1.280000e+02 : f32
    %div3A_156 = vector.broadcast %div3A_155 : f32 to vector<1600x1xf32>
    %div3A_157 = arith.divf %transpose3A_154, %div3A_156 : vector<1600x1xf32>
    %sub3A_158 = vector.broadcast %div3A_157 : vector<1600x1xf32> to vector<1600x128xf32>
    %sub3A_159 = arith.subf %mul3A_143, %sub3A_158 : vector<1600x128xf32>
    %mul3A_160 = arith.mulf %sub3A_159, %sub3A_159 : vector<1600x128xf32>
    %transpose3A_161 = tpu.transpose %mul3A_160, [1, 0] : vector<1600x128xf32> -> vector<128x1600xf32>
    %reduce_sum3A_162 = arith.constant dense<0.000000e+00> : vector<1600xf32>
    %reduce_sum3A_163 = vector.multi_reduction <add>, %transpose3A_161, %reduce_sum3A_162 [0] : vector<128x1600xf32> to vector<1600xf32>
    %broadcast_in_dim3A_164 = vector.shape_cast %reduce_sum3A_163 : vector<1600xf32> to vector<1x1600xf32>
    %transpose3A_165 = tpu.transpose %broadcast_in_dim3A_164, [1, 0] : vector<1x1600xf32> -> vector<1600x1xf32>
    %div3A_166 = arith.constant 1.280000e+02 : f32
    %div3A_167 = vector.broadcast %div3A_166 : f32 to vector<1600x1xf32>
    %div3A_168 = arith.divf %transpose3A_165, %div3A_167 : vector<1600x1xf32>
    %add3A_169 = arith.constant 9.99999974E-6 : f32
    %add3A_170 = vector.broadcast %add3A_169 : f32 to vector<1600x1xf32>
    %add3A_171 = arith.addf %div3A_168, %add3A_170 : vector<1600x1xf32>
    %sqrt3A_172 = math.sqrt %add3A_171 : vector<1600x1xf32>
    %div3A_173 = vector.broadcast %sqrt3A_172 : vector<1600x1xf32> to vector<1600x128xf32>
    %div3A_174 = arith.divf %sub3A_159, %div3A_173 : vector<1600x128xf32>
    %mul3A_175 = vector.broadcast %get3A_146 : vector<1x128xf32> to vector<1600x128xf32>
    %mul3A_176 = arith.mulf %div3A_174, %mul3A_175 : vector<1600x128xf32>
    %add3A_177 = vector.broadcast %get3A_149 : vector<1x128xf32> to vector<1600x128xf32>
    %add3A_178 = arith.addf %mul3A_176, %add3A_177 : vector<1600x128xf32>
    %get3A_179 = arith.constant 0 : index
    %get3A_180 = arith.constant 0 : index
    %get3A_181 = vector.load %arg20[%get3A_179, %get3A_180] : memref<128x128xf32, #tpu.memory_space<vmem>>, vector<128x128xf32>
    %dot_general3A_182 = arith.constant dense<0.000000e+00> : vector<1600x128xf32>
    %dot_general3A_183 = tpu.matmul %add3A_178, %get3A_181, %dot_general3A_182 {dimension_numbers = #tpu.dot_dimension_numbers<[1], [0], [0], [1], [0, 0, 1, 1], [], []>, transpose_lhs_hint = false} : vector<1600x128xf32>, vector<128x128xf32>, vector<1600x128xf32> -> vector<1600x128xf32>
    %get3A_184 = arith.constant 0 : index
    %get3A_185 = arith.constant 0 : index
    %get3A_186 = vector.load %arg21[%get3A_184, %get3A_185] : memref<1x128xf32, #tpu.memory_space<vmem>>, vector<1x128xf32>
    %add3A_187 = vector.broadcast %get3A_186 : vector<1x128xf32> to vector<1600x128xf32>
    %add3A_188 = arith.addf %dot_general3A_183, %add3A_187 : vector<1600x128xf32>
    %add3A_189 = arith.addf %reshape3A_44, %add3A_188 : vector<1600x128xf32>
    %get3A_190 = arith.constant 0 : index
    %get3A_191 = arith.constant 0 : index
    %get3A_192 = vector.load %arg22[%get3A_190, %get3A_191] : memref<1x128xf32, #tpu.memory_space<vmem>>, vector<1x128xf32>
    %get3A_193 = arith.constant 0 : index
    %get3A_194 = arith.constant 0 : index
    %get3A_195 = vector.load %arg23[%get3A_193, %get3A_194] : memref<1x128xf32, #tpu.memory_space<vmem>>, vector<1x128xf32>
    %transpose3A_196 = tpu.transpose %add3A_189, [1, 0] : vector<1600x128xf32> -> vector<128x1600xf32>
    %reduce_sum3A_197 = arith.constant dense<0.000000e+00> : vector<1600xf32>
    %reduce_sum3A_198 = vector.multi_reduction <add>, %transpose3A_196, %reduce_sum3A_197 [0] : vector<128x1600xf32> to vector<1600xf32>
    %broadcast_in_dim3A_199 = vector.shape_cast %reduce_sum3A_198 : vector<1600xf32> to vector<1x1600xf32>
    %transpose3A_200 = tpu.transpose %broadcast_in_dim3A_199, [1, 0] : vector<1x1600xf32> -> vector<1600x1xf32>
    %div3A_201 = arith.constant 1.280000e+02 : f32
    %div3A_202 = vector.broadcast %div3A_201 : f32 to vector<1600x1xf32>
    %div3A_203 = arith.divf %transpose3A_200, %div3A_202 : vector<1600x1xf32>
    %sub3A_204 = vector.broadcast %div3A_203 : vector<1600x1xf32> to vector<1600x128xf32>
    %sub3A_205 = arith.subf %add3A_189, %sub3A_204 : vector<1600x128xf32>
    %mul3A_206 = arith.mulf %sub3A_205, %sub3A_205 : vector<1600x128xf32>
    %transpose3A_207 = tpu.transpose %mul3A_206, [1, 0] : vector<1600x128xf32> -> vector<128x1600xf32>
    %reduce_sum3A_208 = arith.constant dense<0.000000e+00> : vector<1600xf32>
    %reduce_sum3A_209 = vector.multi_reduction <add>, %transpose3A_207, %reduce_sum3A_208 [0] : vector<128x1600xf32> to vector<1600xf32>
    %broadcast_in_dim3A_210 = vector.shape_cast %reduce_sum3A_209 : vector<1600xf32> to vector<1x1600xf32>
    %transpose3A_211 = tpu.transpose %broadcast_in_dim3A_210, [1, 0] : vector<1x1600xf32> -> vector<1600x1xf32>
    %div3A_212 = arith.constant 1.280000e+02 : f32
    %div3A_213 = vector.broadcast %div3A_212 : f32 to vector<1600x1xf32>
    %div3A_214 = arith.divf %transpose3A_211, %div3A_213 : vector<1600x1xf32>
    %add3A_215 = arith.constant 9.99999974E-6 : f32
    %add3A_216 = vector.broadcast %add3A_215 : f32 to vector<1600x1xf32>
    %add3A_217 = arith.addf %div3A_214, %add3A_216 : vector<1600x1xf32>
    %sqrt3A_218 = math.sqrt %add3A_217 : vector<1600x1xf32>
    %div3A_219 = vector.broadcast %sqrt3A_218 : vector<1600x1xf32> to vector<1600x128xf32>
    %div3A_220 = arith.divf %sub3A_205, %div3A_219 : vector<1600x128xf32>
    %mul3A_221 = vector.broadcast %get3A_192 : vector<1x128xf32> to vector<1600x128xf32>
    %mul3A_222 = arith.mulf %div3A_220, %mul3A_221 : vector<1600x128xf32>
    %add3A_223 = vector.broadcast %get3A_195 : vector<1x128xf32> to vector<1600x128xf32>
    %add3A_224 = arith.addf %mul3A_222, %add3A_223 : vector<1600x128xf32>
    %get3A_225 = arith.constant 0 : index
    %get3A_226 = arith.constant 0 : index
    %get3A_227 = vector.load %arg24[%get3A_225, %get3A_226] : memref<1x128xf32, #tpu.memory_space<vmem>>, vector<1x128xf32>
    %get3A_228 = arith.constant 0 : index
    %get3A_229 = arith.constant 0 : index
    %get3A_230 = vector.load %arg25[%get3A_228, %get3A_229] : memref<1x128xf32, #tpu.memory_space<vmem>>, vector<1x128xf32>
    %transpose3A_231 = tpu.transpose %add3A_224, [1, 0] : vector<1600x128xf32> -> vector<128x1600xf32>
    %reduce_sum3A_232 = arith.constant dense<0.000000e+00> : vector<1600xf32>
    %reduce_sum3A_233 = vector.multi_reduction <add>, %transpose3A_231, %reduce_sum3A_232 [0] : vector<128x1600xf32> to vector<1600xf32>
    %broadcast_in_dim3A_234 = vector.shape_cast %reduce_sum3A_233 : vector<1600xf32> to vector<1x1600xf32>
    %transpose3A_235 = tpu.transpose %broadcast_in_dim3A_234, [1, 0] : vector<1x1600xf32> -> vector<1600x1xf32>
    %div3A_236 = arith.constant 1.280000e+02 : f32
    %div3A_237 = vector.broadcast %div3A_236 : f32 to vector<1600x1xf32>
    %div3A_238 = arith.divf %transpose3A_235, %div3A_237 : vector<1600x1xf32>
    %sub3A_239 = vector.broadcast %div3A_238 : vector<1600x1xf32> to vector<1600x128xf32>
    %sub3A_240 = arith.subf %add3A_224, %sub3A_239 : vector<1600x128xf32>
    %mul3A_241 = arith.mulf %sub3A_240, %sub3A_240 : vector<1600x128xf32>
    %transpose3A_242 = tpu.transpose %mul3A_241, [1, 0] : vector<1600x128xf32> -> vector<128x1600xf32>
    %reduce_sum3A_243 = arith.constant dense<0.000000e+00> : vector<1600xf32>
    %reduce_sum3A_244 = vector.multi_reduction <add>, %transpose3A_242, %reduce_sum3A_243 [0] : vector<128x1600xf32> to vector<1600xf32>
    %broadcast_in_dim3A_245 = vector.shape_cast %reduce_sum3A_244 : vector<1600xf32> to vector<1x1600xf32>
    %transpose3A_246 = tpu.transpose %broadcast_in_dim3A_245, [1, 0] : vector<1x1600xf32> -> vector<1600x1xf32>
    %div3A_247 = arith.constant 1.280000e+02 : f32
    %div3A_248 = vector.broadcast %div3A_247 : f32 to vector<1600x1xf32>
    %div3A_249 = arith.divf %transpose3A_246, %div3A_248 : vector<1600x1xf32>
    %add3A_250 = arith.constant 9.99999974E-6 : f32
    %add3A_251 = vector.broadcast %add3A_250 : f32 to vector<1600x1xf32>
    %add3A_252 = arith.addf %div3A_249, %add3A_251 : vector<1600x1xf32>
    %sqrt3A_253 = math.sqrt %add3A_252 : vector<1600x1xf32>
    %div3A_254 = vector.broadcast %sqrt3A_253 : vector<1600x1xf32> to vector<1600x128xf32>
    %div3A_255 = arith.divf %sub3A_240, %div3A_254 : vector<1600x128xf32>
    %mul3A_256 = vector.broadcast %get3A_227 : vector<1x128xf32> to vector<1600x128xf32>
    %mul3A_257 = arith.mulf %div3A_255, %mul3A_256 : vector<1600x128xf32>
    %add3A_258 = vector.broadcast %get3A_230 : vector<1x128xf32> to vector<1600x128xf32>
    %add3A_259 = arith.addf %mul3A_257, %add3A_258 : vector<1600x128xf32>
    %get3A_260 = arith.constant 0 : index
    %get3A_261 = arith.constant 0 : index
    %get3A_262 = vector.load %arg26[%get3A_260, %get3A_261] : memref<128x128xf32, #tpu.memory_space<vmem>>, vector<128x128xf32>
    %dot_general3A_263 = arith.constant dense<0.000000e+00> : vector<1600x128xf32>
    %dot_general3A_264 = tpu.matmul %add3A_259, %get3A_262, %dot_general3A_263 {dimension_numbers = #tpu.dot_dimension_numbers<[1], [0], [0], [1], [0, 0, 1, 1], [], []>, transpose_lhs_hint = false} : vector<1600x128xf32>, vector<128x128xf32>, vector<1600x128xf32> -> vector<1600x128xf32>
    %get3A_265 = arith.constant 0 : index
    %get3A_266 = arith.constant 0 : index
    %get3A_267 = vector.load %arg27[%get3A_265, %get3A_266] : memref<1x128xf32, #tpu.memory_space<vmem>>, vector<1x128xf32>
    %add3A_268 = vector.broadcast %get3A_267 : vector<1x128xf32> to vector<1600x128xf32>
    %add3A_269 = arith.addf %dot_general3A_264, %add3A_268 : vector<1600x128xf32>
    %logistic3A_270 = arith.negf %add3A_269 : vector<1600x128xf32>
    %logistic3A_271 = math.exp %logistic3A_270 : vector<1600x128xf32>
    %logistic3A_272 = arith.constant 1.000000e+00 : f32
    %logistic3A_273 = vector.broadcast %logistic3A_272 : f32 to vector<1600x128xf32>
    %logistic3A_274 = arith.addf %logistic3A_273, %logistic3A_271 : vector<1600x128xf32>
    %logistic3A_275 = arith.divf %logistic3A_273, %logistic3A_274 : vector<1600x128xf32>
    %mul3A_276 = arith.mulf %add3A_269, %logistic3A_275 : vector<1600x128xf32>
    %get3A_277 = arith.constant 0 : index
    %get3A_278 = arith.constant 0 : index
    %get3A_279 = vector.load %arg28[%get3A_277, %get3A_278] : memref<1x128xf32, #tpu.memory_space<vmem>>, vector<1x128xf32>
    %get3A_280 = arith.constant 0 : index
    %get3A_281 = arith.constant 0 : index
    %get3A_282 = vector.load %arg29[%get3A_280, %get3A_281] : memref<1x128xf32, #tpu.memory_space<vmem>>, vector<1x128xf32>
    %transpose3A_283 = tpu.transpose %mul3A_276, [1, 0] : vector<1600x128xf32> -> vector<128x1600xf32>
    %reduce_sum3A_284 = arith.constant dense<0.000000e+00> : vector<1600xf32>
    %reduce_sum3A_285 = vector.multi_reduction <add>, %transpose3A_283, %reduce_sum3A_284 [0] : vector<128x1600xf32> to vector<1600xf32>
    %broadcast_in_dim3A_286 = vector.shape_cast %reduce_sum3A_285 : vector<1600xf32> to vector<1x1600xf32>
    %transpose3A_287 = tpu.transpose %broadcast_in_dim3A_286, [1, 0] : vector<1x1600xf32> -> vector<1600x1xf32>
    %div3A_288 = arith.constant 1.280000e+02 : f32
    %div3A_289 = vector.broadcast %div3A_288 : f32 to vector<1600x1xf32>
    %div3A_290 = arith.divf %transpose3A_287, %div3A_289 : vector<1600x1xf32>
    %sub3A_291 = vector.broadcast %div3A_290 : vector<1600x1xf32> to vector<1600x128xf32>
    %sub3A_292 = arith.subf %mul3A_276, %sub3A_291 : vector<1600x128xf32>
    %mul3A_293 = arith.mulf %sub3A_292, %sub3A_292 : vector<1600x128xf32>
    %transpose3A_294 = tpu.transpose %mul3A_293, [1, 0] : vector<1600x128xf32> -> vector<128x1600xf32>
    %reduce_sum3A_295 = arith.constant dense<0.000000e+00> : vector<1600xf32>
    %reduce_sum3A_296 = vector.multi_reduction <add>, %transpose3A_294, %reduce_sum3A_295 [0] : vector<128x1600xf32> to vector<1600xf32>
    %broadcast_in_dim3A_297 = vector.shape_cast %reduce_sum3A_296 : vector<1600xf32> to vector<1x1600xf32>
    %transpose3A_298 = tpu.transpose %broadcast_in_dim3A_297, [1, 0] : vector<1x1600xf32> -> vector<1600x1xf32>
    %div3A_299 = arith.constant 1.280000e+02 : f32
    %div3A_300 = vector.broadcast %div3A_299 : f32 to vector<1600x1xf32>
    %div3A_301 = arith.divf %transpose3A_298, %div3A_300 : vector<1600x1xf32>
    %add3A_302 = arith.constant 9.99999974E-6 : f32
    %add3A_303 = vector.broadcast %add3A_302 : f32 to vector<1600x1xf32>
    %add3A_304 = arith.addf %div3A_301, %add3A_303 : vector<1600x1xf32>
    %sqrt3A_305 = math.sqrt %add3A_304 : vector<1600x1xf32>
    %div3A_306 = vector.broadcast %sqrt3A_305 : vector<1600x1xf32> to vector<1600x128xf32>
    %div3A_307 = arith.divf %sub3A_292, %div3A_306 : vector<1600x128xf32>
    %mul3A_308 = vector.broadcast %get3A_279 : vector<1x128xf32> to vector<1600x128xf32>
    %mul3A_309 = arith.mulf %div3A_307, %mul3A_308 : vector<1600x128xf32>
    %add3A_310 = vector.broadcast %get3A_282 : vector<1x128xf32> to vector<1600x128xf32>
    %add3A_311 = arith.addf %mul3A_309, %add3A_310 : vector<1600x128xf32>
    %get3A_312 = arith.constant 0 : index
    %get3A_313 = arith.constant 0 : index
    %get3A_314 = vector.load %arg30[%get3A_312, %get3A_313] : memref<128x64xf32, #tpu.memory_space<vmem>>, vector<128x64xf32>
    %dot_general3A_315 = arith.constant dense<0.000000e+00> : vector<1600x64xf32>
    %dot_general3A_316 = tpu.matmul %add3A_311, %get3A_314, %dot_general3A_315 {dimension_numbers = #tpu.dot_dimension_numbers<[1], [0], [0], [1], [0, 0, 1, 1], [], []>, transpose_lhs_hint = false} : vector<1600x128xf32>, vector<128x64xf32>, vector<1600x64xf32> -> vector<1600x64xf32>
    %get3A_317 = arith.constant 0 : index
    %get3A_318 = arith.constant 0 : index
    %get3A_319 = vector.load %arg31[%get3A_317, %get3A_318] : memref<1x64xf32, #tpu.memory_space<vmem>>, vector<1x64xf32>
    %add3A_320 = vector.broadcast %get3A_319 : vector<1x64xf32> to vector<1600x64xf32>
    %add3A_321 = arith.addf %dot_general3A_316, %add3A_320 : vector<1600x64xf32>
    %logistic3A_322 = arith.negf %add3A_321 : vector<1600x64xf32>
    %logistic3A_323 = math.exp %logistic3A_322 : vector<1600x64xf32>
    %logistic3A_324 = arith.constant 1.000000e+00 : f32
    %logistic3A_325 = vector.broadcast %logistic3A_324 : f32 to vector<1600x64xf32>
    %logistic3A_326 = arith.addf %logistic3A_325, %logistic3A_323 : vector<1600x64xf32>
    %logistic3A_327 = arith.divf %logistic3A_325, %logistic3A_326 : vector<1600x64xf32>
    %mul3A_328 = arith.mulf %add3A_321, %logistic3A_327 : vector<1600x64xf32>
    %get3A_329 = arith.constant 0 : index
    %get3A_330 = arith.constant 0 : index
    %get3A_331 = vector.load %arg32[%get3A_329, %get3A_330] : memref<64x2xf32, #tpu.memory_space<vmem>>, vector<64x2xf32>
    %dot_general3A_332 = arith.constant dense<0.000000e+00> : vector<1600x2xf32>
    %dot_general3A_333 = tpu.matmul %mul3A_328, %get3A_331, %dot_general3A_332 {dimension_numbers = #tpu.dot_dimension_numbers<[1], [0], [0], [1], [0, 0, 1, 1], [], []>, transpose_lhs_hint = false} : vector<1600x64xf32>, vector<64x2xf32>, vector<1600x2xf32> -> vector<1600x2xf32>
    %get3A_334 = arith.constant 0 : index
    %get3A_335 = arith.constant 0 : index
    %get3A_336 = vector.load %arg33[%get3A_334, %get3A_335] : memref<1x2xf32, #tpu.memory_space<vmem>>, vector<1x2xf32>
    %add3A_337 = vector.broadcast %get3A_336 : vector<1x2xf32> to vector<1600x2xf32>
    %add3A_338 = arith.addf %dot_general3A_333, %add3A_337 : vector<1600x2xf32>
    %reshape3A_339 = vector.shape_cast %add3A_338 : vector<1600x2xf32> to vector<8x200x2xf32>
    %swap3A = arith.constant 0 : index
    %swap3A_340 = arith.constant 0 : index
    %swap3A_341 = arith.constant 0 : index
    %swap3A_342 = arith.constant 0 : index
    %swap3A_343 = vector.load %arg34[%swap3A, %swap3A_340, %swap3A_341, %swap3A_342] : memref<1x8x200x2xf32, #tpu.memory_space<vmem>>, vector<1x8x200x2xf32>
    %swap3A_344 = vector.shape_cast %swap3A_343 : vector<1x8x200x2xf32> to vector<8x200x2xf32>
    %swap3A_345 = vector.shape_cast %reshape3A_339 : vector<8x200x2xf32> to vector<1x8x200x2xf32>
    tpu.vector_store %arg34[%swap3A, %swap3A_340, %swap3A_341, %swap3A_342], %swap3A_345 {strides = array<i32>} : memref<1x8x200x2xf32, #tpu.memory_space<vmem>>, vector<1x8x200x2xf32>,
    return
  }
  func.func @transform_0(%arg0: i32, %arg1: i32) -> (i32, i32, i32) {
    %c0_i32 = arith.constant 0 : i32
    %c0_i32_0 = arith.constant 0 : i32
    return %arg0, %arg1, %c0_i32 : i32, i32, i32
  }
  func.func @transform_1(%arg0: i32, %arg1: i32) -> (i32, i32, i32) {
    %c0_i32 = arith.constant 0 : i32
    %c0_i32_0 = arith.constant 0 : i32
    %c0_i32_1 = arith.constant 0 : i32
    return %arg0, %c0_i32, %c0_i32_0 : i32, i32, i32
  }
  func.func @transform_2(%arg0: i32, %arg1: i32) -> (i32, i32, i32) {
    %c0_i32 = arith.constant 0 : i32
    %c0_i32_0 = arith.constant 0 : i32
    return %arg0, %arg1, %c0_i32 : i32, i32, i32
  }
  func.func @transform_3(%arg0: i32, %arg1: i32) -> (i32, i32, i32) {
    %c0_i32 = arith.constant 0 : i32
    %c0_i32_0 = arith.constant 0 : i32
    %c0_i32_1 = arith.constant 0 : i32
    return %arg0, %c0_i32, %c0_i32_0 : i32, i32, i32
  }
  func.func @transform_4(%arg0: i32, %arg1: i32) -> (i32, i32, i32, i32) {
    %c0_i32 = arith.constant 0 : i32
    %c0_i32_0 = arith.constant 0 : i32
    %c0_i32_1 = arith.constant 0 : i32
    return %arg0, %arg1, %c0_i32, %c0_i32_0 : i32, i32, i32, i32
  }
  func.func @transform_5(%arg0: i32, %arg1: i32) -> (i32, i32, i32) {
    %c0_i32 = arith.constant 0 : i32
    %c0_i32_0 = arith.constant 0 : i32
    %c0_i32_1 = arith.constant 0 : i32
    return %arg0, %c0_i32, %c0_i32_0 : i32, i32, i32
  }
  func.func @transform_6(%arg0: i32, %arg1: i32) -> (i32, i32) {
    %c0_i32 = arith.constant 0 : i32
    %c0_i32_0 = arith.constant 0 : i32
    %c0_i32_1 = arith.constant 0 : i32
    return %c0_i32, %c0_i32_0 : i32, i32
  }
  func.func @transform_7(%arg0: i32, %arg1: i32) -> (i32, i32) {
    %c0_i32 = arith.constant 0 : i32
    %c0_i32_0 = arith.constant 0 : i32
    %c0_i32_1 = arith.constant 0 : i32
    return %c0_i32, %c0_i32_0 : i32, i32
  }
  func.func @transform_8(%arg0: i32, %arg1: i32) -> (i32, i32) {
    %c0_i32 = arith.constant 0 : i32
    %c0_i32_0 = arith.constant 0 : i32
    %c0_i32_1 = arith.constant 0 : i32
    return %c0_i32, %c0_i32_0 : i32, i32
  }
  func.func @transform_9(%arg0: i32, %arg1: i32) -> (i32, i32) {
    %c0_i32 = arith.constant 0 : i32
    %c0_i32_0 = arith.constant 0 : i32
    %c0_i32_1 = arith.constant 0 : i32
    return %c0_i32, %c0_i32_0 : i32, i32
  }
  func.func @transform_10(%arg0: i32, %arg1: i32) -> (i32, i32) {
    %c0_i32 = arith.constant 0 : i32
    %c0_i32_0 = arith.constant 0 : i32
    %c0_i32_1 = arith.constant 0 : i32
    return %c0_i32, %c0_i32_0 : i32, i32
  }
  func.func @transform_11(%arg0: i32, %arg1: i32) -> (i32, i32) {
    %c0_i32 = arith.constant 0 : i32
    %c0_i32_0 = arith.constant 0 : i32
    %c0_i32_1 = arith.constant 0 : i32
    return %c0_i32, %c0_i32_0 : i32, i32
  }
  func.func @transform_12(%arg0: i32, %arg1: i32) -> (i32, i32) {
    %c0_i32 = arith.constant 0 : i32
    %c0_i32_0 = arith.constant 0 : i32
    %c0_i32_1 = arith.constant 0 : i32
    return %c0_i32, %c0_i32_0 : i32, i32
  }
  func.func @transform_13(%arg0: i32, %arg1: i32) -> (i32, i32) {
    %c0_i32 = arith.constant 0 : i32
    %c0_i32_0 = arith.constant 0 : i32
    %c0_i32_1 = arith.constant 0 : i32
    return %c0_i32, %c0_i32_0 : i32, i32
  }
  func.func @transform_14(%arg0: i32, %arg1: i32) -> (i32, i32) {
    %c0_i32 = arith.constant 0 : i32
    %c0_i32_0 = arith.constant 0 : i32
    %c0_i32_1 = arith.constant 0 : i32
    return %c0_i32, %c0_i32_0 : i32, i32
  }
  func.func @transform_15(%arg0: i32, %arg1: i32) -> (i32, i32) {
    %c0_i32 = arith.constant 0 : i32
    %c0_i32_0 = arith.constant 0 : i32
    %c0_i32_1 = arith.constant 0 : i32
    return %c0_i32, %c0_i32_0 : i32, i32
  }
  func.func @transform_16(%arg0: i32, %arg1: i32) -> (i32, i32) {
    %c0_i32 = arith.constant 0 : i32
    %c0_i32_0 = arith.constant 0 : i32
    %c0_i32_1 = arith.constant 0 : i32
    return %c0_i32, %c0_i32_0 : i32, i32
  }
  func.func @transform_17(%arg0: i32, %arg1: i32) -> (i32, i32) {
    %c0_i32 = arith.constant 0 : i32
    %c0_i32_0 = arith.constant 0 : i32
    %c0_i32_1 = arith.constant 0 : i32
    return %c0_i32, %c0_i32_0 : i32, i32
  }
  func.func @transform_18(%arg0: i32, %arg1: i32) -> (i32, i32) {
    %c0_i32 = arith.constant 0 : i32
    %c0_i32_0 = arith.constant 0 : i32
    %c0_i32_1 = arith.constant 0 : i32
    return %c0_i32, %c0_i32_0 : i32, i32
  }
  func.func @transform_19(%arg0: i32, %arg1: i32) -> (i32, i32) {
    %c0_i32 = arith.constant 0 : i32
    %c0_i32_0 = arith.constant 0 : i32
    %c0_i32_1 = arith.constant 0 : i32
    return %c0_i32, %c0_i32_0 : i32, i32
  }
  func.func @transform_20(%arg0: i32, %arg1: i32) -> (i32, i32) {
    %c0_i32 = arith.constant 0 : i32
    %c0_i32_0 = arith.constant 0 : i32
    %c0_i32_1 = arith.constant 0 : i32
    return %c0_i32, %c0_i32_0 : i32, i32
  }
  func.func @transform_21(%arg0: i32, %arg1: i32) -> (i32, i32) {
    %c0_i32 = arith.constant 0 : i32
    %c0_i32_0 = arith.constant 0 : i32
    %c0_i32_1 = arith.constant 0 : i32
    return %c0_i32, %c0_i32_0 : i32, i32
  }
  func.func @transform_22(%arg0: i32, %arg1: i32) -> (i32, i32) {
    %c0_i32 = arith.constant 0 : i32
    %c0_i32_0 = arith.constant 0 : i32
    %c0_i32_1 = arith.constant 0 : i32
    return %c0_i32, %c0_i32_0 : i32, i32
  }
  func.func @transform_23(%arg0: i32, %arg1: i32) -> (i32, i32) {
    %c0_i32 = arith.constant 0 : i32
    %c0_i32_0 = arith.constant 0 : i32
    %c0_i32_1 = arith.constant 0 : i32
    return %c0_i32, %c0_i32_0 : i32, i32
  }
  func.func @transform_24(%arg0: i32, %arg1: i32) -> (i32, i32) {
    %c0_i32 = arith.constant 0 : i32
    %c0_i32_0 = arith.constant 0 : i32
    %c0_i32_1 = arith.constant 0 : i32
    return %c0_i32, %c0_i32_0 : i32, i32
  }
  func.func @transform_25(%arg0: i32, %arg1: i32) -> (i32, i32) {
    %c0_i32 = arith.constant 0 : i32
    %c0_i32_0 = arith.constant 0 : i32
    %c0_i32_1 = arith.constant 0 : i32
    return %c0_i32, %c0_i32_0 : i32, i32
  }
  func.func @transform_26(%arg0: i32, %arg1: i32) -> (i32, i32) {
    %c0_i32 = arith.constant 0 : i32
    %c0_i32_0 = arith.constant 0 : i32
    %c0_i32_1 = arith.constant 0 : i32
    return %c0_i32, %c0_i32_0 : i32, i32
  }
  func.func @transform_27(%arg0: i32, %arg1: i32) -> (i32, i32) {
    %c0_i32 = arith.constant 0 : i32
    %c0_i32_0 = arith.constant 0 : i32
    %c0_i32_1 = arith.constant 0 : i32
    return %c0_i32, %c0_i32_0 : i32, i32
  }
  func.func @transform_28(%arg0: i32, %arg1: i32) -> (i32, i32) {
    %c0_i32 = arith.constant 0 : i32
    %c0_i32_0 = arith.constant 0 : i32
    %c0_i32_1 = arith.constant 0 : i32
    return %c0_i32, %c0_i32_0 : i32, i32
  }
  func.func @transform_29(%arg0: i32, %arg1: i32) -> (i32, i32) {
    %c0_i32 = arith.constant 0 : i32
    %c0_i32_0 = arith.constant 0 : i32
    %c0_i32_1 = arith.constant 0 : i32
    return %c0_i32, %c0_i32_0 : i32, i32
  }
  func.func @transform_30(%arg0: i32, %arg1: i32) -> (i32, i32) {
    %c0_i32 = arith.constant 0 : i32
    %c0_i32_0 = arith.constant 0 : i32
    %c0_i32_1 = arith.constant 0 : i32
    return %c0_i32, %c0_i32_0 : i32, i32
  }
  func.func @transform_31(%arg0: i32, %arg1: i32) -> (i32, i32) {
    %c0_i32 = arith.constant 0 : i32
    %c0_i32_0 = arith.constant 0 : i32
    %c0_i32_1 = arith.constant 0 : i32
    return %c0_i32, %c0_i32_0 : i32, i32
  }
  func.func @transform_32(%arg0: i32, %arg1: i32) -> (i32, i32, i32, i32) {
    %c0_i32 = arith.constant 0 : i32
    %c0_i32_0 = arith.constant 0 : i32
    %c0_i32_1 = arith.constant 0 : i32
    return %arg0, %arg1, %c0_i32, %c0_i32_0 : i32, i32, i32, i32
  }
}

module attributes {stable_mosaic.version = 14 : i64} {
  func.func @_lambda_(%arg0: i32, %arg1: i32, %arg2: memref<1x8x2xf32, #tpu.memory_space<vmem>>, %arg3: memref<1x2x200xf32, #tpu.memory_space<vmem>>, %arg4: memref<1x8x64xf32, #tpu.memory_space<vmem>>, %arg5: memref<1x200x64xf32, #tpu.memory_space<vmem>>, %arg6: memref<1x8x200x128xf32, #tpu.memory_space<vmem>>, %arg7: memref<1x1x128xf32, #tpu.memory_space<vmem>>, %arg8: memref<257x128xf32, #tpu.memory_space<vmem>>, %arg9: memref<1x128xf32, #tpu.memory_space<vmem>>, %arg10: memref<1x128xf32, #tpu.memory_space<vmem>>, %arg11: memref<1x128xf32, #tpu.memory_space<vmem>>, %arg12: memref<128x128xf32, #tpu.memory_space<vmem>>, %arg13: memref<1x128xf32, #tpu.memory_space<vmem>>, %arg14: memref<128x128xf32, #tpu.memory_space<vmem>>, %arg15: memref<1x128xf32, #tpu.memory_space<vmem>>, %arg16: memref<128x128xf32, #tpu.memory_space<vmem>>, %arg17: memref<1x128xf32, #tpu.memory_space<vmem>>, %arg18: memref<128x1xf32, #tpu.memory_space<vmem>>, %arg19: memref<192x128xf32, #tpu.memory_space<vmem>>, %arg20: memref<1x128xf32, #tpu.memory_space<vmem>>, %arg21: memref<1x128xf32, #tpu.memory_space<vmem>>, %arg22: memref<1x128xf32, #tpu.memory_space<vmem>>, %arg23: memref<128x64xf32, #tpu.memory_space<vmem>>, %arg24: memref<1x64xf32, #tpu.memory_space<vmem>>, %arg25: memref<1x64xf32, #tpu.memory_space<vmem>>, %arg26: memref<1x64xf32, #tpu.memory_space<vmem>>, %arg27: memref<256x128xf32, #tpu.memory_space<vmem>>, %arg28: memref<1x128xf32, #tpu.memory_space<vmem>>, %arg29: memref<1x128xf32, #tpu.memory_space<vmem>>, %arg30: memref<1x128xf32, #tpu.memory_space<vmem>>, %arg31: memref<128x128xf32, #tpu.memory_space<vmem>>, %arg32: memref<1x128xf32, #tpu.memory_space<vmem>>, %arg33: memref<1x128xf32, #tpu.memory_space<vmem>>, %arg34: memref<1x128xf32, #tpu.memory_space<vmem>>, %arg35: memref<1x8x64xf32, #tpu.memory_space<vmem>>, %arg36: memref<1x8x2xf32, #tpu.memory_space<vmem>>, %arg37: memref<1x8x200x128xf32, #tpu.memory_space<vmem>>) attributes {dimension_semantics = [#tpu.dimension_semantics<arbitrary>, #tpu.dimension_semantics<arbitrary>], iteration_bounds = array<i64: 4, 25>, scalar_prefetch = 0 : i64, scratch_operands = 0 : i64, tpu.core_type = #tpu.core_type<tc>, window_params = [{transform_indices = @transform_0, window_bounds = array<i64: 1, 8, 2>}, {transform_indices = @transform_1, window_bounds = array<i64: 1, 2, 200>}, {transform_indices = @transform_2, window_bounds = array<i64: 1, 8, 64>}, {transform_indices = @transform_3, window_bounds = array<i64: 1, 200, 64>}, {transform_indices = @transform_4, window_bounds = array<i64: 1, 8, 200, 128>}, {transform_indices = @transform_5, window_bounds = array<i64: 1, 1, 128>}, {pipeline_mode = #tpu.pipeline_mode<synchronous>, transform_indices = @transform_6, window_bounds = array<i64: 257, 128>}, {pipeline_mode = #tpu.pipeline_mode<synchronous>, transform_indices = @transform_7, window_bounds = array<i64: 1, 128>}, {pipeline_mode = #tpu.pipeline_mode<synchronous>, transform_indices = @transform_8, window_bounds = array<i64: 1, 128>}, {pipeline_mode = #tpu.pipeline_mode<synchronous>, transform_indices = @transform_9, window_bounds = array<i64: 1, 128>}, {pipeline_mode = #tpu.pipeline_mode<synchronous>, transform_indices = @transform_10, window_bounds = array<i64: 128, 128>}, {pipeline_mode = #tpu.pipeline_mode<synchronous>, transform_indices = @transform_11, window_bounds = array<i64: 1, 128>}, {pipeline_mode = #tpu.pipeline_mode<synchronous>, transform_indices = @transform_12, window_bounds = array<i64: 128, 128>}, {pipeline_mode = #tpu.pipeline_mode<synchronous>, transform_indices = @transform_13, window_bounds = array<i64: 1, 128>}, {pipeline_mode = #tpu.pipeline_mode<synchronous>, transform_indices = @transform_14, window_bounds = array<i64: 128, 128>}, {pipeline_mode = #tpu.pipeline_mode<synchronous>, transform_indices = @transform_15, window_bounds = array<i64: 1, 128>}, {pipeline_mode = #tpu.pipeline_mode<synchronous>, transform_indices = @transform_16, window_bounds = array<i64: 128, 1>}, {pipeline_mode = #tpu.pipeline_mode<synchronous>, transform_indices = @transform_17, window_bounds = array<i64: 192, 128>}, {pipeline_mode = #tpu.pipeline_mode<synchronous>, transform_indices = @transform_18, window_bounds = array<i64: 1, 128>}, {pipeline_mode = #tpu.pipeline_mode<synchronous>, transform_indices = @transform_19, window_bounds = array<i64: 1, 128>}, {pipeline_mode = #tpu.pipeline_mode<synchronous>, transform_indices = @transform_20, window_bounds = array<i64: 1, 128>}, {pipeline_mode = #tpu.pipeline_mode<synchronous>, transform_indices = @transform_21, window_bounds = array<i64: 128, 64>}, {pipeline_mode = #tpu.pipeline_mode<synchronous>, transform_indices = @transform_22, window_bounds = array<i64: 1, 64>}, {pipeline_mode = #tpu.pipeline_mode<synchronous>, transform_indices = @transform_23, window_bounds = array<i64: 1, 64>}, {pipeline_mode = #tpu.pipeline_mode<synchronous>, transform_indices = @transform_24, window_bounds = array<i64: 1, 64>}, {pipeline_mode = #tpu.pipeline_mode<synchronous>, transform_indices = @transform_25, window_bounds = array<i64: 256, 128>}, {pipeline_mode = #tpu.pipeline_mode<synchronous>, transform_indices = @transform_26, window_bounds = array<i64: 1, 128>}, {pipeline_mode = #tpu.pipeline_mode<synchronous>, transform_indices = @transform_27, window_bounds = array<i64: 1, 128>}, {pipeline_mode = #tpu.pipeline_mode<synchronous>, transform_indices = @transform_28, window_bounds = array<i64: 1, 128>}, {pipeline_mode = #tpu.pipeline_mode<synchronous>, transform_indices = @transform_29, window_bounds = array<i64: 128, 128>}, {pipeline_mode = #tpu.pipeline_mode<synchronous>, transform_indices = @transform_30, window_bounds = array<i64: 1, 128>}, {pipeline_mode = #tpu.pipeline_mode<synchronous>, transform_indices = @transform_31, window_bounds = array<i64: 1, 128>}, {pipeline_mode = #tpu.pipeline_mode<synchronous>, transform_indices = @transform_32, window_bounds = array<i64: 1, 128>}, {transform_indices = @transform_33, window_bounds = array<i64: 1, 8, 64>}, {transform_indices = @transform_34, window_bounds = array<i64: 1, 8, 2>}, {transform_indices = @transform_35, window_bounds = array<i64: 1, 8, 200, 128>}]} {
    %get3A = arith.constant 0 : index
    %get3A_0 = arith.constant 0 : index
    %get3A_1 = arith.constant 0 : index
    %get3A_2 = vector.load %arg2[%get3A, %get3A_0, %get3A_1] : memref<1x8x2xf32, #tpu.memory_space<vmem>>, vector<1x8x2xf32>
    %get3A_3 = vector.shape_cast %get3A_2 : vector<1x8x2xf32> to vector<8x2xf32>
    %slice3A = vector.extract_strided_slice %get3A_3 {offsets = [0, 0], sizes = [8, 1], strides = [1, 1]} : vector<8x2xf32> to vector<8x1xf32>
    %slice3A_4 = vector.extract_strided_slice %get3A_3 {offsets = [0, 1], sizes = [8, 1], strides = [1, 1]} : vector<8x2xf32> to vector<8x1xf32>
    %get3A_5 = arith.constant 0 : index
    %get3A_6 = arith.constant 0 : index
    %get3A_7 = arith.constant 0 : index
    %get3A_8 = vector.load %arg3[%get3A_5, %get3A_6, %get3A_7] : memref<1x2x200xf32, #tpu.memory_space<vmem>>, vector<1x1x200xf32>
    %get3A_9 = vector.shape_cast %get3A_8 : vector<1x1x200xf32> to vector<1x200xf32>
    %get3A_10 = arith.constant 0 : index
    %get3A_11 = arith.constant 1 : index
    %get3A_12 = arith.constant 0 : index
    %get3A_13 = vector.load %arg3[%get3A_10, %get3A_11, %get3A_12] : memref<1x2x200xf32, #tpu.memory_space<vmem>>, vector<1x1x200xf32>
    %get3A_14 = vector.shape_cast %get3A_13 : vector<1x1x200xf32> to vector<1x200xf32>
    %sub3A = vector.broadcast %get3A_9 : vector<1x200xf32> to vector<8x200xf32>
    %sub3A_15 = vector.broadcast %slice3A : vector<8x1xf32> to vector<8x200xf32>
    %sub3A_16 = arith.subf %sub3A, %sub3A_15 : vector<8x200xf32>
    %sub3A_17 = vector.broadcast %get3A_14 : vector<1x200xf32> to vector<8x200xf32>
    %sub3A_18 = vector.broadcast %slice3A_4 : vector<8x1xf32> to vector<8x200xf32>
    %sub3A_19 = arith.subf %sub3A_17, %sub3A_18 : vector<8x200xf32>
    %mul3A = arith.mulf %sub3A_16, %sub3A_16 : vector<8x200xf32>
    %mul3A_20 = arith.mulf %sub3A_19, %sub3A_19 : vector<8x200xf32>
    %add3A = arith.addf %mul3A, %mul3A_20 : vector<8x200xf32>
    %sqrt3A = math.sqrt %add3A : vector<8x200xf32>
    %get3A_21 = arith.constant 0 : index
    %get3A_22 = arith.constant 0 : index
    %get3A_23 = arith.constant 0 : index
    %get3A_24 = vector.load %arg7[%get3A_21, %get3A_22, %get3A_23] : memref<1x1x128xf32, #tpu.memory_space<vmem>>, vector<1x1x128xf32>
    %get3A_25 = vector.shape_cast %get3A_24 : vector<1x1x128xf32> to vector<1x128xf32>
    %reshape3A = vector.shape_cast %get3A_25 : vector<1x128xf32> to vector<1x1x128xf32>
    %get3A_26 = arith.constant 0 : index
    %get3A_27 = arith.constant 0 : index
    %get3A_28 = arith.constant 0 : index
    %get3A_29 = vector.load %arg5[%get3A_26, %get3A_27, %get3A_28] : memref<1x200x64xf32, #tpu.memory_space<vmem>>, vector<1x200x64xf32>
    %get3A_30 = vector.shape_cast %get3A_29 : vector<1x200x64xf32> to vector<200x64xf32>
    %get3A_31 = arith.constant 0 : index
    %get3A_32 = arith.constant 0 : index
    %get3A_33 = arith.constant 0 : index
    %get3A_34 = vector.load %arg4[%get3A_31, %get3A_32, %get3A_33] : memref<1x8x64xf32, #tpu.memory_space<vmem>>, vector<1x8x64xf32>
    %get3A_35 = vector.shape_cast %get3A_34 : vector<1x8x64xf32> to vector<8x64xf32>
    %get3A_36 = arith.constant 0 : index
    %get3A_37 = arith.constant 0 : index
    %get3A_38 = arith.constant 0 : index
    %get3A_39 = arith.constant 0 : index
    %get3A_40 = vector.load %arg6[%get3A_36, %get3A_37, %get3A_38, %get3A_39] : memref<1x8x200x128xf32, #tpu.memory_space<vmem>>, vector<1x8x200x128xf32>
    %get3A_41 = vector.shape_cast %get3A_40 : vector<1x8x200x128xf32> to vector<8x200x128xf32>
    %add3A_42 = vector.broadcast %reshape3A : vector<1x1x128xf32> to vector<8x200x128xf32>
    %add3A_43 = arith.addf %get3A_41, %add3A_42 : vector<8x200x128xf32>
    %reshape3A_44 = vector.shape_cast %add3A_43 : vector<8x200x128xf32> to vector<1600x128xf32>
    %broadcast_in_dim3A = vector.shape_cast %get3A_35 : vector<8x64xf32> to vector<8x1x64xf32>
    %broadcast_in_dim3A_45 = vector.shape_cast %broadcast_in_dim3A : vector<8x1x64xf32> to vector<8x1x64xf32>
    %broadcast_in_dim3A_46 = vector.broadcast %broadcast_in_dim3A_45 : vector<8x1x64xf32> to vector<8x200x64xf32>
    %broadcast_in_dim3A_47 = vector.shape_cast %get3A_30 : vector<200x64xf32> to vector<1x200x64xf32>
    %broadcast_in_dim3A_48 = vector.shape_cast %broadcast_in_dim3A_47 : vector<1x200x64xf32> to vector<1x200x64xf32>
    %broadcast_in_dim3A_49 = vector.broadcast %broadcast_in_dim3A_48 : vector<1x200x64xf32> to vector<8x200x64xf32>
    %broadcast_in_dim3A_50 = vector.shape_cast %sqrt3A : vector<8x200xf32> to vector<8x200x1xf32>
    %concatenate3A = tpu.concatenate %broadcast_in_dim3A_46, %broadcast_in_dim3A_49, %broadcast_in_dim3A_50, %add3A_43 in 2 : vector<8x200x64xf32>, vector<8x200x64xf32>, vector<8x200x1xf32>, vector<8x200x128xf32> -> vector<8x200x257xf32>
    %reshape3A_51 = vector.shape_cast %concatenate3A : vector<8x200x257xf32> to vector<1600x257xf32>
    %get3A_52 = arith.constant 0 : index
    %get3A_53 = arith.constant 0 : index
    %get3A_54 = vector.load %arg8[%get3A_52, %get3A_53] : memref<257x128xf32, #tpu.memory_space<vmem>>, vector<257x128xf32>
    %dot_general3A = arith.constant dense<0.000000e+00> : vector<1600x128xf32>
    %dot_general3A_55 = tpu.matmul %reshape3A_51, %get3A_54, %dot_general3A {dimension_numbers = #tpu.dot_dimension_numbers<[1], [0], [0], [1], [0, 0, 1, 1], [], []>, transpose_lhs_hint = false} : vector<1600x257xf32>, vector<257x128xf32>, vector<1600x128xf32> -> vector<1600x128xf32>
    %get3A_56 = arith.constant 0 : index
    %get3A_57 = arith.constant 0 : index
    %get3A_58 = vector.load %arg9[%get3A_56, %get3A_57] : memref<1x128xf32, #tpu.memory_space<vmem>>, vector<1x128xf32>
    %add3A_59 = vector.broadcast %get3A_58 : vector<1x128xf32> to vector<1600x128xf32>
    %add3A_60 = arith.addf %dot_general3A_55, %add3A_59 : vector<1600x128xf32>
    %logistic3A = arith.negf %add3A_60 : vector<1600x128xf32>
    %logistic3A_61 = math.exp %logistic3A : vector<1600x128xf32>
    %logistic3A_62 = arith.constant 1.000000e+00 : f32
    %logistic3A_63 = vector.broadcast %logistic3A_62 : f32 to vector<1600x128xf32>
    %logistic3A_64 = arith.addf %logistic3A_63, %logistic3A_61 : vector<1600x128xf32>
    %logistic3A_65 = arith.divf %logistic3A_63, %logistic3A_64 : vector<1600x128xf32>
    %mul3A_66 = arith.mulf %add3A_60, %logistic3A_65 : vector<1600x128xf32>
    %get3A_67 = arith.constant 0 : index
    %get3A_68 = arith.constant 0 : index
    %get3A_69 = vector.load %arg10[%get3A_67, %get3A_68] : memref<1x128xf32, #tpu.memory_space<vmem>>, vector<1x128xf32>
    %get3A_70 = arith.constant 0 : index
    %get3A_71 = arith.constant 0 : index
    %get3A_72 = vector.load %arg11[%get3A_70, %get3A_71] : memref<1x128xf32, #tpu.memory_space<vmem>>, vector<1x128xf32>
    %transpose3A = tpu.transpose %mul3A_66, [1, 0] : vector<1600x128xf32> -> vector<128x1600xf32>
    %reduce_sum3A = arith.constant dense<0.000000e+00> : vector<1600xf32>
    %reduce_sum3A_73 = vector.multi_reduction <add>, %transpose3A, %reduce_sum3A [0] : vector<128x1600xf32> to vector<1600xf32>
    %broadcast_in_dim3A_74 = vector.shape_cast %reduce_sum3A_73 : vector<1600xf32> to vector<1x1600xf32>
    %transpose3A_75 = tpu.transpose %broadcast_in_dim3A_74, [1, 0] : vector<1x1600xf32> -> vector<1600x1xf32>
    %div3A = arith.constant 1.280000e+02 : f32
    %div3A_76 = vector.broadcast %div3A : f32 to vector<1600x1xf32>
    %div3A_77 = arith.divf %transpose3A_75, %div3A_76 : vector<1600x1xf32>
    %sub3A_78 = vector.broadcast %div3A_77 : vector<1600x1xf32> to vector<1600x128xf32>
    %sub3A_79 = arith.subf %mul3A_66, %sub3A_78 : vector<1600x128xf32>
    %mul3A_80 = arith.mulf %sub3A_79, %sub3A_79 : vector<1600x128xf32>
    %transpose3A_81 = tpu.transpose %mul3A_80, [1, 0] : vector<1600x128xf32> -> vector<128x1600xf32>
    %reduce_sum3A_82 = arith.constant dense<0.000000e+00> : vector<1600xf32>
    %reduce_sum3A_83 = vector.multi_reduction <add>, %transpose3A_81, %reduce_sum3A_82 [0] : vector<128x1600xf32> to vector<1600xf32>
    %broadcast_in_dim3A_84 = vector.shape_cast %reduce_sum3A_83 : vector<1600xf32> to vector<1x1600xf32>
    %transpose3A_85 = tpu.transpose %broadcast_in_dim3A_84, [1, 0] : vector<1x1600xf32> -> vector<1600x1xf32>
    %div3A_86 = arith.constant 1.280000e+02 : f32
    %div3A_87 = vector.broadcast %div3A_86 : f32 to vector<1600x1xf32>
    %div3A_88 = arith.divf %transpose3A_85, %div3A_87 : vector<1600x1xf32>
    %add3A_89 = arith.constant 9.99999974E-6 : f32
    %add3A_90 = vector.broadcast %add3A_89 : f32 to vector<1600x1xf32>
    %add3A_91 = arith.addf %div3A_88, %add3A_90 : vector<1600x1xf32>
    %sqrt3A_92 = math.sqrt %add3A_91 : vector<1600x1xf32>
    %div3A_93 = vector.broadcast %sqrt3A_92 : vector<1600x1xf32> to vector<1600x128xf32>
    %div3A_94 = arith.divf %sub3A_79, %div3A_93 : vector<1600x128xf32>
    %mul3A_95 = vector.broadcast %get3A_69 : vector<1x128xf32> to vector<1600x128xf32>
    %mul3A_96 = arith.mulf %div3A_94, %mul3A_95 : vector<1600x128xf32>
    %add3A_97 = vector.broadcast %get3A_72 : vector<1x128xf32> to vector<1600x128xf32>
    %add3A_98 = arith.addf %mul3A_96, %add3A_97 : vector<1600x128xf32>
    %get3A_99 = arith.constant 0 : index
    %get3A_100 = arith.constant 0 : index
    %get3A_101 = vector.load %arg12[%get3A_99, %get3A_100] : memref<128x128xf32, #tpu.memory_space<vmem>>, vector<128x128xf32>
    %dot_general3A_102 = arith.constant dense<0.000000e+00> : vector<1600x128xf32>
    %dot_general3A_103 = tpu.matmul %add3A_98, %get3A_101, %dot_general3A_102 {dimension_numbers = #tpu.dot_dimension_numbers<[1], [0], [0], [1], [0, 0, 1, 1], [], []>, transpose_lhs_hint = false} : vector<1600x128xf32>, vector<128x128xf32>, vector<1600x128xf32> -> vector<1600x128xf32>
    %get3A_104 = arith.constant 0 : index
    %get3A_105 = arith.constant 0 : index
    %get3A_106 = vector.load %arg13[%get3A_104, %get3A_105] : memref<1x128xf32, #tpu.memory_space<vmem>>, vector<1x128xf32>
    %add3A_107 = vector.broadcast %get3A_106 : vector<1x128xf32> to vector<1600x128xf32>
    %add3A_108 = arith.addf %dot_general3A_103, %add3A_107 : vector<1600x128xf32>
    %logistic3A_109 = arith.negf %add3A_108 : vector<1600x128xf32>
    %logistic3A_110 = math.exp %logistic3A_109 : vector<1600x128xf32>
    %logistic3A_111 = arith.constant 1.000000e+00 : f32
    %logistic3A_112 = vector.broadcast %logistic3A_111 : f32 to vector<1600x128xf32>
    %logistic3A_113 = arith.addf %logistic3A_112, %logistic3A_110 : vector<1600x128xf32>
    %logistic3A_114 = arith.divf %logistic3A_112, %logistic3A_113 : vector<1600x128xf32>
    %mul3A_115 = arith.mulf %add3A_108, %logistic3A_114 : vector<1600x128xf32>
    %get3A_116 = arith.constant 0 : index
    %get3A_117 = arith.constant 0 : index
    %get3A_118 = vector.load %arg14[%get3A_116, %get3A_117] : memref<128x128xf32, #tpu.memory_space<vmem>>, vector<128x128xf32>
    %dot_general3A_119 = arith.constant dense<0.000000e+00> : vector<1600x128xf32>
    %dot_general3A_120 = tpu.matmul %mul3A_115, %get3A_118, %dot_general3A_119 {dimension_numbers = #tpu.dot_dimension_numbers<[1], [0], [0], [1], [0, 0, 1, 1], [], []>, transpose_lhs_hint = false} : vector<1600x128xf32>, vector<128x128xf32>, vector<1600x128xf32> -> vector<1600x128xf32>
    %get3A_121 = arith.constant 0 : index
    %get3A_122 = arith.constant 0 : index
    %get3A_123 = vector.load %arg15[%get3A_121, %get3A_122] : memref<1x128xf32, #tpu.memory_space<vmem>>, vector<1x128xf32>
    %add3A_124 = vector.broadcast %get3A_123 : vector<1x128xf32> to vector<1600x128xf32>
    %add3A_125 = arith.addf %dot_general3A_120, %add3A_124 : vector<1600x128xf32>
    %concatenate3A_126 = tpu.concatenate %reshape3A_44, %add3A_125 in 1 : vector<1600x128xf32>, vector<1600x128xf32> -> vector<1600x256xf32>
    %get3A_127 = arith.constant 0 : index
    %get3A_128 = arith.constant 0 : index
    %get3A_129 = vector.load %arg27[%get3A_127, %get3A_128] : memref<256x128xf32, #tpu.memory_space<vmem>>, vector<256x128xf32>
    %dot_general3A_130 = arith.constant dense<0.000000e+00> : vector<1600x128xf32>
    %dot_general3A_131 = tpu.matmul %concatenate3A_126, %get3A_129, %dot_general3A_130 {dimension_numbers = #tpu.dot_dimension_numbers<[1], [0], [0], [1], [0, 0, 1, 1], [], []>, transpose_lhs_hint = false} : vector<1600x256xf32>, vector<256x128xf32>, vector<1600x128xf32> -> vector<1600x128xf32>
    %get3A_132 = arith.constant 0 : index
    %get3A_133 = arith.constant 0 : index
    %get3A_134 = vector.load %arg28[%get3A_132, %get3A_133] : memref<1x128xf32, #tpu.memory_space<vmem>>, vector<1x128xf32>
    %add3A_135 = vector.broadcast %get3A_134 : vector<1x128xf32> to vector<1600x128xf32>
    %add3A_136 = arith.addf %dot_general3A_131, %add3A_135 : vector<1600x128xf32>
    %logistic3A_137 = arith.negf %add3A_136 : vector<1600x128xf32>
    %logistic3A_138 = math.exp %logistic3A_137 : vector<1600x128xf32>
    %logistic3A_139 = arith.constant 1.000000e+00 : f32
    %logistic3A_140 = vector.broadcast %logistic3A_139 : f32 to vector<1600x128xf32>
    %logistic3A_141 = arith.addf %logistic3A_140, %logistic3A_138 : vector<1600x128xf32>
    %logistic3A_142 = arith.divf %logistic3A_140, %logistic3A_141 : vector<1600x128xf32>
    %mul3A_143 = arith.mulf %add3A_136, %logistic3A_142 : vector<1600x128xf32>
    %get3A_144 = arith.constant 0 : index
    %get3A_145 = arith.constant 0 : index
    %get3A_146 = vector.load %arg29[%get3A_144, %get3A_145] : memref<1x128xf32, #tpu.memory_space<vmem>>, vector<1x128xf32>
    %get3A_147 = arith.constant 0 : index
    %get3A_148 = arith.constant 0 : index
    %get3A_149 = vector.load %arg30[%get3A_147, %get3A_148] : memref<1x128xf32, #tpu.memory_space<vmem>>, vector<1x128xf32>
    %transpose3A_150 = tpu.transpose %mul3A_143, [1, 0] : vector<1600x128xf32> -> vector<128x1600xf32>
    %reduce_sum3A_151 = arith.constant dense<0.000000e+00> : vector<1600xf32>
    %reduce_sum3A_152 = vector.multi_reduction <add>, %transpose3A_150, %reduce_sum3A_151 [0] : vector<128x1600xf32> to vector<1600xf32>
    %broadcast_in_dim3A_153 = vector.shape_cast %reduce_sum3A_152 : vector<1600xf32> to vector<1x1600xf32>
    %transpose3A_154 = tpu.transpose %broadcast_in_dim3A_153, [1, 0] : vector<1x1600xf32> -> vector<1600x1xf32>
    %div3A_155 = arith.constant 1.280000e+02 : f32
    %div3A_156 = vector.broadcast %div3A_155 : f32 to vector<1600x1xf32>
    %div3A_157 = arith.divf %transpose3A_154, %div3A_156 : vector<1600x1xf32>
    %sub3A_158 = vector.broadcast %div3A_157 : vector<1600x1xf32> to vector<1600x128xf32>
    %sub3A_159 = arith.subf %mul3A_143, %sub3A_158 : vector<1600x128xf32>
    %mul3A_160 = arith.mulf %sub3A_159, %sub3A_159 : vector<1600x128xf32>
    %transpose3A_161 = tpu.transpose %mul3A_160, [1, 0] : vector<1600x128xf32> -> vector<128x1600xf32>
    %reduce_sum3A_162 = arith.constant dense<0.000000e+00> : vector<1600xf32>
    %reduce_sum3A_163 = vector.multi_reduction <add>, %transpose3A_161, %reduce_sum3A_162 [0] : vector<128x1600xf32> to vector<1600xf32>
    %broadcast_in_dim3A_164 = vector.shape_cast %reduce_sum3A_163 : vector<1600xf32> to vector<1x1600xf32>
    %transpose3A_165 = tpu.transpose %broadcast_in_dim3A_164, [1, 0] : vector<1x1600xf32> -> vector<1600x1xf32>
    %div3A_166 = arith.constant 1.280000e+02 : f32
    %div3A_167 = vector.broadcast %div3A_166 : f32 to vector<1600x1xf32>
    %div3A_168 = arith.divf %transpose3A_165, %div3A_167 : vector<1600x1xf32>
    %add3A_169 = arith.constant 9.99999974E-6 : f32
    %add3A_170 = vector.broadcast %add3A_169 : f32 to vector<1600x1xf32>
    %add3A_171 = arith.addf %div3A_168, %add3A_170 : vector<1600x1xf32>
    %sqrt3A_172 = math.sqrt %add3A_171 : vector<1600x1xf32>
    %div3A_173 = vector.broadcast %sqrt3A_172 : vector<1600x1xf32> to vector<1600x128xf32>
    %div3A_174 = arith.divf %sub3A_159, %div3A_173 : vector<1600x128xf32>
    %mul3A_175 = vector.broadcast %get3A_146 : vector<1x128xf32> to vector<1600x128xf32>
    %mul3A_176 = arith.mulf %div3A_174, %mul3A_175 : vector<1600x128xf32>
    %add3A_177 = vector.broadcast %get3A_149 : vector<1x128xf32> to vector<1600x128xf32>
    %add3A_178 = arith.addf %mul3A_176, %add3A_177 : vector<1600x128xf32>
    %get3A_179 = arith.constant 0 : index
    %get3A_180 = arith.constant 0 : index
    %get3A_181 = vector.load %arg31[%get3A_179, %get3A_180] : memref<128x128xf32, #tpu.memory_space<vmem>>, vector<128x128xf32>
    %dot_general3A_182 = arith.constant dense<0.000000e+00> : vector<1600x128xf32>
    %dot_general3A_183 = tpu.matmul %add3A_178, %get3A_181, %dot_general3A_182 {dimension_numbers = #tpu.dot_dimension_numbers<[1], [0], [0], [1], [0, 0, 1, 1], [], []>, transpose_lhs_hint = false} : vector<1600x128xf32>, vector<128x128xf32>, vector<1600x128xf32> -> vector<1600x128xf32>
    %get3A_184 = arith.constant 0 : index
    %get3A_185 = arith.constant 0 : index
    %get3A_186 = vector.load %arg32[%get3A_184, %get3A_185] : memref<1x128xf32, #tpu.memory_space<vmem>>, vector<1x128xf32>
    %add3A_187 = vector.broadcast %get3A_186 : vector<1x128xf32> to vector<1600x128xf32>
    %add3A_188 = arith.addf %dot_general3A_183, %add3A_187 : vector<1600x128xf32>
    %add3A_189 = arith.addf %reshape3A_44, %add3A_188 : vector<1600x128xf32>
    %get3A_190 = arith.constant 0 : index
    %get3A_191 = arith.constant 0 : index
    %get3A_192 = vector.load %arg33[%get3A_190, %get3A_191] : memref<1x128xf32, #tpu.memory_space<vmem>>, vector<1x128xf32>
    %get3A_193 = arith.constant 0 : index
    %get3A_194 = arith.constant 0 : index
    %get3A_195 = vector.load %arg34[%get3A_193, %get3A_194] : memref<1x128xf32, #tpu.memory_space<vmem>>, vector<1x128xf32>
    %transpose3A_196 = tpu.transpose %add3A_189, [1, 0] : vector<1600x128xf32> -> vector<128x1600xf32>
    %reduce_sum3A_197 = arith.constant dense<0.000000e+00> : vector<1600xf32>
    %reduce_sum3A_198 = vector.multi_reduction <add>, %transpose3A_196, %reduce_sum3A_197 [0] : vector<128x1600xf32> to vector<1600xf32>
    %broadcast_in_dim3A_199 = vector.shape_cast %reduce_sum3A_198 : vector<1600xf32> to vector<1x1600xf32>
    %transpose3A_200 = tpu.transpose %broadcast_in_dim3A_199, [1, 0] : vector<1x1600xf32> -> vector<1600x1xf32>
    %div3A_201 = arith.constant 1.280000e+02 : f32
    %div3A_202 = vector.broadcast %div3A_201 : f32 to vector<1600x1xf32>
    %div3A_203 = arith.divf %transpose3A_200, %div3A_202 : vector<1600x1xf32>
    %sub3A_204 = vector.broadcast %div3A_203 : vector<1600x1xf32> to vector<1600x128xf32>
    %sub3A_205 = arith.subf %add3A_189, %sub3A_204 : vector<1600x128xf32>
    %mul3A_206 = arith.mulf %sub3A_205, %sub3A_205 : vector<1600x128xf32>
    %transpose3A_207 = tpu.transpose %mul3A_206, [1, 0] : vector<1600x128xf32> -> vector<128x1600xf32>
    %reduce_sum3A_208 = arith.constant dense<0.000000e+00> : vector<1600xf32>
    %reduce_sum3A_209 = vector.multi_reduction <add>, %transpose3A_207, %reduce_sum3A_208 [0] : vector<128x1600xf32> to vector<1600xf32>
    %broadcast_in_dim3A_210 = vector.shape_cast %reduce_sum3A_209 : vector<1600xf32> to vector<1x1600xf32>
    %transpose3A_211 = tpu.transpose %broadcast_in_dim3A_210, [1, 0] : vector<1x1600xf32> -> vector<1600x1xf32>
    %div3A_212 = arith.constant 1.280000e+02 : f32
    %div3A_213 = vector.broadcast %div3A_212 : f32 to vector<1600x1xf32>
    %div3A_214 = arith.divf %transpose3A_211, %div3A_213 : vector<1600x1xf32>
    %add3A_215 = arith.constant 9.99999974E-6 : f32
    %add3A_216 = vector.broadcast %add3A_215 : f32 to vector<1600x1xf32>
    %add3A_217 = arith.addf %div3A_214, %add3A_216 : vector<1600x1xf32>
    %sqrt3A_218 = math.sqrt %add3A_217 : vector<1600x1xf32>
    %div3A_219 = vector.broadcast %sqrt3A_218 : vector<1600x1xf32> to vector<1600x128xf32>
    %div3A_220 = arith.divf %sub3A_205, %div3A_219 : vector<1600x128xf32>
    %mul3A_221 = vector.broadcast %get3A_192 : vector<1x128xf32> to vector<1600x128xf32>
    %mul3A_222 = arith.mulf %div3A_220, %mul3A_221 : vector<1600x128xf32>
    %add3A_223 = vector.broadcast %get3A_195 : vector<1x128xf32> to vector<1600x128xf32>
    %add3A_224 = arith.addf %mul3A_222, %add3A_223 : vector<1600x128xf32>
    %reshape3A_225 = vector.shape_cast %add3A_224 : vector<1600x128xf32> to vector<8x200x128xf32>
    %swap3A = arith.constant 0 : index
    %swap3A_226 = arith.constant 0 : index
    %swap3A_227 = arith.constant 0 : index
    %swap3A_228 = arith.constant 0 : index
    %swap3A_229 = vector.load %arg37[%swap3A, %swap3A_226, %swap3A_227, %swap3A_228] : memref<1x8x200x128xf32, #tpu.memory_space<vmem>>, vector<1x8x200x128xf32>
    %swap3A_230 = vector.shape_cast %swap3A_229 : vector<1x8x200x128xf32> to vector<8x200x128xf32>
    %swap3A_231 = vector.shape_cast %reshape3A_225 : vector<8x200x128xf32> to vector<1x8x200x128xf32>
    tpu.vector_store %arg37[%swap3A, %swap3A_226, %swap3A_227, %swap3A_228], %swap3A_231 {strides = array<i32>} : memref<1x8x200x128xf32, #tpu.memory_space<vmem>>, vector<1x8x200x128xf32>,
    %iota3A = tpu.iota {dimensions = array<i32: 0>} : vector<8x200xi32>
    %mul3A_232 = arith.constant 8 : i32
    %mul3A_233 = arith.muli %arg1, %mul3A_232 : i32
    %add3A_234 = vector.broadcast %mul3A_233 : i32 to vector<8x200xi32>
    %add3A_235 = arith.addi %iota3A, %add3A_234 : vector<8x200xi32>
    %iota3A_236 = tpu.iota {dimensions = array<i32: 1>} : vector<8x200xi32>
    %ne3A = arith.cmpi ne, %add3A_235, %iota3A_236 : vector<8x200xi32>
    %get3A_237 = arith.constant 0 : index
    %get3A_238 = arith.constant 0 : index
    %get3A_239 = vector.load %arg16[%get3A_237, %get3A_238] : memref<128x128xf32, #tpu.memory_space<vmem>>, vector<128x128xf32>
    %dot_general3A_240 = arith.constant dense<0.000000e+00> : vector<1600x128xf32>
    %dot_general3A_241 = tpu.matmul %add3A_125, %get3A_239, %dot_general3A_240 {dimension_numbers = #tpu.dot_dimension_numbers<[1], [0], [0], [1], [0, 0, 1, 1], [], []>, transpose_lhs_hint = false} : vector<1600x128xf32>, vector<128x128xf32>, vector<1600x128xf32> -> vector<1600x128xf32>
    %get3A_242 = arith.constant 0 : index
    %get3A_243 = arith.constant 0 : index
    %get3A_244 = vector.load %arg17[%get3A_242, %get3A_243] : memref<1x128xf32, #tpu.memory_space<vmem>>, vector<1x128xf32>
    %add3A_245 = vector.broadcast %get3A_244 : vector<1x128xf32> to vector<1600x128xf32>
    %add3A_246 = arith.addf %dot_general3A_241, %add3A_245 : vector<1600x128xf32>
    %logistic3A_247 = arith.negf %add3A_246 : vector<1600x128xf32>
    %logistic3A_248 = math.exp %logistic3A_247 : vector<1600x128xf32>
    %logistic3A_249 = arith.constant 1.000000e+00 : f32
    %logistic3A_250 = vector.broadcast %logistic3A_249 : f32 to vector<1600x128xf32>
    %logistic3A_251 = arith.addf %logistic3A_250, %logistic3A_248 : vector<1600x128xf32>
    %logistic3A_252 = arith.divf %logistic3A_250, %logistic3A_251 : vector<1600x128xf32>
    %mul3A_253 = arith.mulf %add3A_246, %logistic3A_252 : vector<1600x128xf32>
    %get3A_254 = arith.constant 0 : index
    %get3A_255 = arith.constant 0 : index
    %get3A_256 = vector.load %arg18[%get3A_254, %get3A_255] : memref<128x1xf32, #tpu.memory_space<vmem>>, vector<128x1xf32>
    %dot_general3A_257 = arith.constant dense<0.000000e+00> : vector<1600x1xf32>
    %dot_general3A_258 = tpu.matmul %mul3A_253, %get3A_256, %dot_general3A_257 {dimension_numbers = #tpu.dot_dimension_numbers<[1], [0], [0], [1], [0, 0, 1, 1], [], []>, transpose_lhs_hint = false} : vector<1600x128xf32>, vector<128x1xf32>, vector<1600x1xf32> -> vector<1600x1xf32>
    %reshape3A_259 = vector.shape_cast %dot_general3A_258 : vector<1600x1xf32> to vector<8x200xf32>
    %add3A_260 = arith.constant 9.99999993E-9 : f32
    %add3A_261 = vector.broadcast %add3A_260 : f32 to vector<8x200xf32>
    %add3A_262 = arith.addf %sqrt3A, %add3A_261 : vector<8x200xf32>
    %mul3A_263 = arith.mulf %reshape3A_259, %sub3A_16 : vector<8x200xf32>
    %div3A_264 = arith.divf %mul3A_263, %add3A_262 : vector<8x200xf32>
    %jit3A = arith.constant 0.000000e+00 : f32
    %broadcast_in_dim3A_265 = vector.broadcast %jit3A : f32 to vector<8x200xf32>
    %select_n3A = arith.select %ne3A, %div3A_264, %broadcast_in_dim3A_265 : vector<8x200xi1>, vector<8x200xf32>
    %reduce_sum3A_266 = arith.constant dense<0.000000e+00> : vector<8xf32>
    %reduce_sum3A_267 = vector.multi_reduction <add>, %select_n3A, %reduce_sum3A_266 [1] : vector<8x200xf32> to vector<8xf32>
    %broadcast_in_dim3A_268 = vector.shape_cast %reduce_sum3A_267 : vector<8xf32> to vector<8x1xf32>
    %mul3A_269 = arith.mulf %reshape3A_259, %sub3A_19 : vector<8x200xf32>
    %div3A_270 = arith.divf %mul3A_269, %add3A_262 : vector<8x200xf32>
    %jit3A_271 = arith.constant 0.000000e+00 : f32
    %broadcast_in_dim3A_272 = vector.broadcast %jit3A_271 : f32 to vector<8x200xf32>
    %select_n3A_273 = arith.select %ne3A, %div3A_270, %broadcast_in_dim3A_272 : vector<8x200xi1>, vector<8x200xf32>
    %reduce_sum3A_274 = arith.constant dense<0.000000e+00> : vector<8xf32>
    %reduce_sum3A_275 = vector.multi_reduction <add>, %select_n3A_273, %reduce_sum3A_274 [1] : vector<8x200xf32> to vector<8xf32>
    %broadcast_in_dim3A_276 = vector.shape_cast %reduce_sum3A_275 : vector<8xf32> to vector<8x1xf32>
    %concatenate3A_277 = tpu.concatenate %broadcast_in_dim3A_268, %broadcast_in_dim3A_276 in 1 : vector<8x1xf32>, vector<8x1xf32> -> vector<8x2xf32>
    %add3A_278 = arith.addf %get3A_3, %concatenate3A_277 : vector<8x2xf32>
    %swap3A_279 = arith.constant 0 : index
    %swap3A_280 = arith.constant 0 : index
    %swap3A_281 = arith.constant 0 : index
    %swap3A_282 = vector.load %arg36[%swap3A_279, %swap3A_280, %swap3A_281] : memref<1x8x2xf32, #tpu.memory_space<vmem>>, vector<1x8x2xf32>
    %swap3A_283 = vector.shape_cast %swap3A_282 : vector<1x8x2xf32> to vector<8x2xf32>
    %swap3A_284 = vector.shape_cast %add3A_278 : vector<8x2xf32> to vector<1x8x2xf32>
    tpu.vector_store %arg36[%swap3A_279, %swap3A_280, %swap3A_281], %swap3A_284 {strides = array<i32>} : memref<1x8x2xf32, #tpu.memory_space<vmem>>, vector<1x8x2xf32>,
    %iota3A_285 = tpu.iota {dimensions = array<i32: 0>} : vector<8x200x1xi32>
    %mul3A_286 = arith.constant 8 : i32
    %mul3A_287 = arith.muli %arg1, %mul3A_286 : i32
    %add3A_288 = vector.broadcast %mul3A_287 : i32 to vector<8x200x1xi32>
    %add3A_289 = arith.addi %iota3A_285, %add3A_288 : vector<8x200x1xi32>
    %iota3A_290 = tpu.iota {dimensions = array<i32: 1>} : vector<8x200x1xi32>
    %ne3A_291 = arith.cmpi ne, %add3A_289, %iota3A_290 : vector<8x200x1xi32>
    %reshape3A_292 = vector.shape_cast %add3A_125 : vector<1600x128xf32> to vector<8x200x128xf32>
    %jit3A_293 = arith.constant 0.000000e+00 : f32
    %broadcast_in_dim3A_294 = vector.shape_cast %ne3A_291 : vector<8x200x1xi1> to vector<8x200x1xi1>
    %broadcast_in_dim3A_295 = vector.broadcast %broadcast_in_dim3A_294 : vector<8x200x1xi1> to vector<8x200x128xi1>
    %broadcast_in_dim3A_296 = vector.broadcast %jit3A_293 : f32 to vector<8x200x128xf32>
    %select_n3A_297 = arith.select %broadcast_in_dim3A_295, %reshape3A_292, %broadcast_in_dim3A_296 : vector<8x200x128xi1>, vector<8x200x128xf32>
    %reduce_sum3A_298 = arith.constant dense<0.000000e+00> : vector<8x128xf32>
    %reduce_sum3A_299 = vector.multi_reduction <add>, %select_n3A_297, %reduce_sum3A_298 [1] : vector<8x200x128xf32> to vector<8x128xf32>
    %concatenate3A_300 = tpu.concatenate %get3A_35, %reduce_sum3A_299 in 1 : vector<8x64xf32>, vector<8x128xf32> -> vector<8x192xf32>
    %get3A_301 = arith.constant 0 : index
    %get3A_302 = arith.constant 0 : index
    %get3A_303 = vector.load %arg19[%get3A_301, %get3A_302] : memref<192x128xf32, #tpu.memory_space<vmem>>, vector<192x128xf32>
    %dot_general3A_304 = arith.constant dense<0.000000e+00> : vector<8x128xf32>
    %dot_general3A_305 = tpu.matmul %concatenate3A_300, %get3A_303, %dot_general3A_304 {dimension_numbers = #tpu.dot_dimension_numbers<[1], [0], [0], [1], [0, 0, 1, 1], [], []>, transpose_lhs_hint = false} : vector<8x192xf32>, vector<192x128xf32>, vector<8x128xf32> -> vector<8x128xf32>
    %get3A_306 = arith.constant 0 : index
    %get3A_307 = arith.constant 0 : index
    %get3A_308 = vector.load %arg20[%get3A_306, %get3A_307] : memref<1x128xf32, #tpu.memory_space<vmem>>, vector<1x128xf32>
    %add3A_309 = vector.broadcast %get3A_308 : vector<1x128xf32> to vector<8x128xf32>
    %add3A_310 = arith.addf %dot_general3A_305, %add3A_309 : vector<8x128xf32>
    %logistic3A_311 = arith.negf %add3A_310 : vector<8x128xf32>
    %logistic3A_312 = math.exp %logistic3A_311 : vector<8x128xf32>
    %logistic3A_313 = arith.constant 1.000000e+00 : f32
    %logistic3A_314 = vector.broadcast %logistic3A_313 : f32 to vector<8x128xf32>
    %logistic3A_315 = arith.addf %logistic3A_314, %logistic3A_312 : vector<8x128xf32>
    %logistic3A_316 = arith.divf %logistic3A_314, %logistic3A_315 : vector<8x128xf32>
    %mul3A_317 = arith.mulf %add3A_310, %logistic3A_316 : vector<8x128xf32>
    %get3A_318 = arith.constant 0 : index
    %get3A_319 = arith.constant 0 : index
    %get3A_320 = vector.load %arg21[%get3A_318, %get3A_319] : memref<1x128xf32, #tpu.memory_space<vmem>>, vector<1x128xf32>
    %get3A_321 = arith.constant 0 : index
    %get3A_322 = arith.constant 0 : index
    %get3A_323 = vector.load %arg22[%get3A_321, %get3A_322] : memref<1x128xf32, #tpu.memory_space<vmem>>, vector<1x128xf32>
    %transpose3A_324 = tpu.transpose %mul3A_317, [1, 0] : vector<8x128xf32> -> vector<128x8xf32>
    %reduce_sum3A_325 = arith.constant dense<0.000000e+00> : vector<8xf32>
    %reduce_sum3A_326 = vector.multi_reduction <add>, %transpose3A_324, %reduce_sum3A_325 [0] : vector<128x8xf32> to vector<8xf32>
    %broadcast_in_dim3A_327 = vector.shape_cast %reduce_sum3A_326 : vector<8xf32> to vector<1x8xf32>
    %transpose3A_328 = tpu.transpose %broadcast_in_dim3A_327, [1, 0] : vector<1x8xf32> -> vector<8x1xf32>
    %div3A_329 = arith.constant 1.280000e+02 : f32
    %div3A_330 = vector.broadcast %div3A_329 : f32 to vector<8x1xf32>
    %div3A_331 = arith.divf %transpose3A_328, %div3A_330 : vector<8x1xf32>
    %sub3A_332 = vector.broadcast %div3A_331 : vector<8x1xf32> to vector<8x128xf32>
    %sub3A_333 = arith.subf %mul3A_317, %sub3A_332 : vector<8x128xf32>
    %mul3A_334 = arith.mulf %sub3A_333, %sub3A_333 : vector<8x128xf32>
    %transpose3A_335 = tpu.transpose %mul3A_334, [1, 0] : vector<8x128xf32> -> vector<128x8xf32>
    %reduce_sum3A_336 = arith.constant dense<0.000000e+00> : vector<8xf32>
    %reduce_sum3A_337 = vector.multi_reduction <add>, %transpose3A_335, %reduce_sum3A_336 [0] : vector<128x8xf32> to vector<8xf32>
    %broadcast_in_dim3A_338 = vector.shape_cast %reduce_sum3A_337 : vector<8xf32> to vector<1x8xf32>
    %transpose3A_339 = tpu.transpose %broadcast_in_dim3A_338, [1, 0] : vector<1x8xf32> -> vector<8x1xf32>
    %div3A_340 = arith.constant 1.280000e+02 : f32
    %div3A_341 = vector.broadcast %div3A_340 : f32 to vector<8x1xf32>
    %div3A_342 = arith.divf %transpose3A_339, %div3A_341 : vector<8x1xf32>
    %add3A_343 = arith.constant 9.99999974E-6 : f32
    %add3A_344 = vector.broadcast %add3A_343 : f32 to vector<8x1xf32>
    %add3A_345 = arith.addf %div3A_342, %add3A_344 : vector<8x1xf32>
    %sqrt3A_346 = math.sqrt %add3A_345 : vector<8x1xf32>
    %div3A_347 = vector.broadcast %sqrt3A_346 : vector<8x1xf32> to vector<8x128xf32>
    %div3A_348 = arith.divf %sub3A_333, %div3A_347 : vector<8x128xf32>
    %mul3A_349 = vector.broadcast %get3A_320 : vector<1x128xf32> to vector<8x128xf32>
    %mul3A_350 = arith.mulf %div3A_348, %mul3A_349 : vector<8x128xf32>
    %add3A_351 = vector.broadcast %get3A_323 : vector<1x128xf32> to vector<8x128xf32>
    %add3A_352 = arith.addf %mul3A_350, %add3A_351 : vector<8x128xf32>
    %get3A_353 = arith.constant 0 : index
    %get3A_354 = arith.constant 0 : index
    %get3A_355 = vector.load %arg23[%get3A_353, %get3A_354] : memref<128x64xf32, #tpu.memory_space<vmem>>, vector<128x64xf32>
    %dot_general3A_356 = arith.constant dense<0.000000e+00> : vector<8x64xf32>
    %dot_general3A_357 = tpu.matmul %add3A_352, %get3A_355, %dot_general3A_356 {dimension_numbers = #tpu.dot_dimension_numbers<[1], [0], [0], [1], [0, 0, 1, 1], [], []>, transpose_lhs_hint = false} : vector<8x128xf32>, vector<128x64xf32>, vector<8x64xf32> -> vector<8x64xf32>
    %get3A_358 = arith.constant 0 : index
    %get3A_359 = arith.constant 0 : index
    %get3A_360 = vector.load %arg24[%get3A_358, %get3A_359] : memref<1x64xf32, #tpu.memory_space<vmem>>, vector<1x64xf32>
    %add3A_361 = vector.broadcast %get3A_360 : vector<1x64xf32> to vector<8x64xf32>
    %add3A_362 = arith.addf %dot_general3A_357, %add3A_361 : vector<8x64xf32>
    %add3A_363 = arith.addf %get3A_35, %add3A_362 : vector<8x64xf32>
    %get3A_364 = arith.constant 0 : index
    %get3A_365 = arith.constant 0 : index
    %get3A_366 = vector.load %arg25[%get3A_364, %get3A_365] : memref<1x64xf32, #tpu.memory_space<vmem>>, vector<1x64xf32>
    %get3A_367 = arith.constant 0 : index
    %get3A_368 = arith.constant 0 : index
    %get3A_369 = vector.load %arg26[%get3A_367, %get3A_368] : memref<1x64xf32, #tpu.memory_space<vmem>>, vector<1x64xf32>
    %transpose3A_370 = tpu.transpose %add3A_363, [1, 0] : vector<8x64xf32> -> vector<64x8xf32>
    %reduce_sum3A_371 = arith.constant dense<0.000000e+00> : vector<8xf32>
    %reduce_sum3A_372 = vector.multi_reduction <add>, %transpose3A_370, %reduce_sum3A_371 [0] : vector<64x8xf32> to vector<8xf32>
    %broadcast_in_dim3A_373 = vector.shape_cast %reduce_sum3A_372 : vector<8xf32> to vector<1x8xf32>
    %transpose3A_374 = tpu.transpose %broadcast_in_dim3A_373, [1, 0] : vector<1x8xf32> -> vector<8x1xf32>
    %div3A_375 = arith.constant 6.400000e+01 : f32
    %div3A_376 = vector.broadcast %div3A_375 : f32 to vector<8x1xf32>
    %div3A_377 = arith.divf %transpose3A_374, %div3A_376 : vector<8x1xf32>
    %sub3A_378 = vector.broadcast %div3A_377 : vector<8x1xf32> to vector<8x64xf32>
    %sub3A_379 = arith.subf %add3A_363, %sub3A_378 : vector<8x64xf32>
    %mul3A_380 = arith.mulf %sub3A_379, %sub3A_379 : vector<8x64xf32>
    %transpose3A_381 = tpu.transpose %mul3A_380, [1, 0] : vector<8x64xf32> -> vector<64x8xf32>
    %reduce_sum3A_382 = arith.constant dense<0.000000e+00> : vector<8xf32>
    %reduce_sum3A_383 = vector.multi_reduction <add>, %transpose3A_381, %reduce_sum3A_382 [0] : vector<64x8xf32> to vector<8xf32>
    %broadcast_in_dim3A_384 = vector.shape_cast %reduce_sum3A_383 : vector<8xf32> to vector<1x8xf32>
    %transpose3A_385 = tpu.transpose %broadcast_in_dim3A_384, [1, 0] : vector<1x8xf32> -> vector<8x1xf32>
    %div3A_386 = arith.constant 6.400000e+01 : f32
    %div3A_387 = vector.broadcast %div3A_386 : f32 to vector<8x1xf32>
    %div3A_388 = arith.divf %transpose3A_385, %div3A_387 : vector<8x1xf32>
    %add3A_389 = arith.constant 9.99999974E-6 : f32
    %add3A_390 = vector.broadcast %add3A_389 : f32 to vector<8x1xf32>
    %add3A_391 = arith.addf %div3A_388, %add3A_390 : vector<8x1xf32>
    %sqrt3A_392 = math.sqrt %add3A_391 : vector<8x1xf32>
    %div3A_393 = vector.broadcast %sqrt3A_392 : vector<8x1xf32> to vector<8x64xf32>
    %div3A_394 = arith.divf %sub3A_379, %div3A_393 : vector<8x64xf32>
    %mul3A_395 = vector.broadcast %get3A_366 : vector<1x64xf32> to vector<8x64xf32>
    %mul3A_396 = arith.mulf %div3A_394, %mul3A_395 : vector<8x64xf32>
    %add3A_397 = vector.broadcast %get3A_369 : vector<1x64xf32> to vector<8x64xf32>
    %add3A_398 = arith.addf %mul3A_396, %add3A_397 : vector<8x64xf32>
    %swap3A_399 = arith.constant 0 : index
    %swap3A_400 = arith.constant 0 : index
    %swap3A_401 = arith.constant 0 : index
    %swap3A_402 = vector.load %arg35[%swap3A_399, %swap3A_400, %swap3A_401] : memref<1x8x64xf32, #tpu.memory_space<vmem>>, vector<1x8x64xf32>
    %swap3A_403 = vector.shape_cast %swap3A_402 : vector<1x8x64xf32> to vector<8x64xf32>
    %swap3A_404 = vector.shape_cast %add3A_398 : vector<8x64xf32> to vector<1x8x64xf32>
    tpu.vector_store %arg35[%swap3A_399, %swap3A_400, %swap3A_401], %swap3A_404 {strides = array<i32>} : memref<1x8x64xf32, #tpu.memory_space<vmem>>, vector<1x8x64xf32>,
    return
  }
  func.func @transform_0(%arg0: i32, %arg1: i32) -> (i32, i32, i32) {
    %c0_i32 = arith.constant 0 : i32
    %c0_i32_0 = arith.constant 0 : i32
    return %arg0, %arg1, %c0_i32 : i32, i32, i32
  }
  func.func @transform_1(%arg0: i32, %arg1: i32) -> (i32, i32, i32) {
    %c0_i32 = arith.constant 0 : i32
    %c0_i32_0 = arith.constant 0 : i32
    %c0_i32_1 = arith.constant 0 : i32
    return %arg0, %c0_i32, %c0_i32_0 : i32, i32, i32
  }
  func.func @transform_2(%arg0: i32, %arg1: i32) -> (i32, i32, i32) {
    %c0_i32 = arith.constant 0 : i32
    %c0_i32_0 = arith.constant 0 : i32
    return %arg0, %arg1, %c0_i32 : i32, i32, i32
  }
  func.func @transform_3(%arg0: i32, %arg1: i32) -> (i32, i32, i32) {
    %c0_i32 = arith.constant 0 : i32
    %c0_i32_0 = arith.constant 0 : i32
    %c0_i32_1 = arith.constant 0 : i32
    return %arg0, %c0_i32, %c0_i32_0 : i32, i32, i32
  }
  func.func @transform_4(%arg0: i32, %arg1: i32) -> (i32, i32, i32, i32) {
    %c0_i32 = arith.constant 0 : i32
    %c0_i32_0 = arith.constant 0 : i32
    %c0_i32_1 = arith.constant 0 : i32
    return %arg0, %arg1, %c0_i32, %c0_i32_0 : i32, i32, i32, i32
  }
  func.func @transform_5(%arg0: i32, %arg1: i32) -> (i32, i32, i32) {
    %c0_i32 = arith.constant 0 : i32
    %c0_i32_0 = arith.constant 0 : i32
    %c0_i32_1 = arith.constant 0 : i32
    return %arg0, %c0_i32, %c0_i32_0 : i32, i32, i32
  }
  func.func @transform_6(%arg0: i32, %arg1: i32) -> (i32, i32) {
    %c0_i32 = arith.constant 0 : i32
    %c0_i32_0 = arith.constant 0 : i32
    %c0_i32_1 = arith.constant 0 : i32
    return %c0_i32, %c0_i32_0 : i32, i32
  }
  func.func @transform_7(%arg0: i32, %arg1: i32) -> (i32, i32) {
    %c0_i32 = arith.constant 0 : i32
    %c0_i32_0 = arith.constant 0 : i32
    %c0_i32_1 = arith.constant 0 : i32
    return %c0_i32, %c0_i32_0 : i32, i32
  }
  func.func @transform_8(%arg0: i32, %arg1: i32) -> (i32, i32) {
    %c0_i32 = arith.constant 0 : i32
    %c0_i32_0 = arith.constant 0 : i32
    %c0_i32_1 = arith.constant 0 : i32
    return %c0_i32, %c0_i32_0 : i32, i32
  }
  func.func @transform_9(%arg0: i32, %arg1: i32) -> (i32, i32) {
    %c0_i32 = arith.constant 0 : i32
    %c0_i32_0 = arith.constant 0 : i32
    %c0_i32_1 = arith.constant 0 : i32
    return %c0_i32, %c0_i32_0 : i32, i32
  }
  func.func @transform_10(%arg0: i32, %arg1: i32) -> (i32, i32) {
    %c0_i32 = arith.constant 0 : i32
    %c0_i32_0 = arith.constant 0 : i32
    %c0_i32_1 = arith.constant 0 : i32
    return %c0_i32, %c0_i32_0 : i32, i32
  }
  func.func @transform_11(%arg0: i32, %arg1: i32) -> (i32, i32) {
    %c0_i32 = arith.constant 0 : i32
    %c0_i32_0 = arith.constant 0 : i32
    %c0_i32_1 = arith.constant 0 : i32
    return %c0_i32, %c0_i32_0 : i32, i32
  }
  func.func @transform_12(%arg0: i32, %arg1: i32) -> (i32, i32) {
    %c0_i32 = arith.constant 0 : i32
    %c0_i32_0 = arith.constant 0 : i32
    %c0_i32_1 = arith.constant 0 : i32
    return %c0_i32, %c0_i32_0 : i32, i32
  }
  func.func @transform_13(%arg0: i32, %arg1: i32) -> (i32, i32) {
    %c0_i32 = arith.constant 0 : i32
    %c0_i32_0 = arith.constant 0 : i32
    %c0_i32_1 = arith.constant 0 : i32
    return %c0_i32, %c0_i32_0 : i32, i32
  }
  func.func @transform_14(%arg0: i32, %arg1: i32) -> (i32, i32) {
    %c0_i32 = arith.constant 0 : i32
    %c0_i32_0 = arith.constant 0 : i32
    %c0_i32_1 = arith.constant 0 : i32
    return %c0_i32, %c0_i32_0 : i32, i32
  }
  func.func @transform_15(%arg0: i32, %arg1: i32) -> (i32, i32) {
    %c0_i32 = arith.constant 0 : i32
    %c0_i32_0 = arith.constant 0 : i32
    %c0_i32_1 = arith.constant 0 : i32
    return %c0_i32, %c0_i32_0 : i32, i32
  }
  func.func @transform_16(%arg0: i32, %arg1: i32) -> (i32, i32) {
    %c0_i32 = arith.constant 0 : i32
    %c0_i32_0 = arith.constant 0 : i32
    %c0_i32_1 = arith.constant 0 : i32
    return %c0_i32, %c0_i32_0 : i32, i32
  }
  func.func @transform_17(%arg0: i32, %arg1: i32) -> (i32, i32) {
    %c0_i32 = arith.constant 0 : i32
    %c0_i32_0 = arith.constant 0 : i32
    %c0_i32_1 = arith.constant 0 : i32
    return %c0_i32, %c0_i32_0 : i32, i32
  }
  func.func @transform_18(%arg0: i32, %arg1: i32) -> (i32, i32) {
    %c0_i32 = arith.constant 0 : i32
    %c0_i32_0 = arith.constant 0 : i32
    %c0_i32_1 = arith.constant 0 : i32
    return %c0_i32, %c0_i32_0 : i32, i32
  }
  func.func @transform_19(%arg0: i32, %arg1: i32) -> (i32, i32) {
    %c0_i32 = arith.constant 0 : i32
    %c0_i32_0 = arith.constant 0 : i32
    %c0_i32_1 = arith.constant 0 : i32
    return %c0_i32, %c0_i32_0 : i32, i32
  }
  func.func @transform_20(%arg0: i32, %arg1: i32) -> (i32, i32) {
    %c0_i32 = arith.constant 0 : i32
    %c0_i32_0 = arith.constant 0 : i32
    %c0_i32_1 = arith.constant 0 : i32
    return %c0_i32, %c0_i32_0 : i32, i32
  }
  func.func @transform_21(%arg0: i32, %arg1: i32) -> (i32, i32) {
    %c0_i32 = arith.constant 0 : i32
    %c0_i32_0 = arith.constant 0 : i32
    %c0_i32_1 = arith.constant 0 : i32
    return %c0_i32, %c0_i32_0 : i32, i32
  }
  func.func @transform_22(%arg0: i32, %arg1: i32) -> (i32, i32) {
    %c0_i32 = arith.constant 0 : i32
    %c0_i32_0 = arith.constant 0 : i32
    %c0_i32_1 = arith.constant 0 : i32
    return %c0_i32, %c0_i32_0 : i32, i32
  }
  func.func @transform_23(%arg0: i32, %arg1: i32) -> (i32, i32) {
    %c0_i32 = arith.constant 0 : i32
    %c0_i32_0 = arith.constant 0 : i32
    %c0_i32_1 = arith.constant 0 : i32
    return %c0_i32, %c0_i32_0 : i32, i32
  }
  func.func @transform_24(%arg0: i32, %arg1: i32) -> (i32, i32) {
    %c0_i32 = arith.constant 0 : i32
    %c0_i32_0 = arith.constant 0 : i32
    %c0_i32_1 = arith.constant 0 : i32
    return %c0_i32, %c0_i32_0 : i32, i32
  }
  func.func @transform_25(%arg0: i32, %arg1: i32) -> (i32, i32) {
    %c0_i32 = arith.constant 0 : i32
    %c0_i32_0 = arith.constant 0 : i32
    %c0_i32_1 = arith.constant 0 : i32
    return %c0_i32, %c0_i32_0 : i32, i32
  }
  func.func @transform_26(%arg0: i32, %arg1: i32) -> (i32, i32) {
    %c0_i32 = arith.constant 0 : i32
    %c0_i32_0 = arith.constant 0 : i32
    %c0_i32_1 = arith.constant 0 : i32
    return %c0_i32, %c0_i32_0 : i32, i32
  }
  func.func @transform_27(%arg0: i32, %arg1: i32) -> (i32, i32) {
    %c0_i32 = arith.constant 0 : i32
    %c0_i32_0 = arith.constant 0 : i32
    %c0_i32_1 = arith.constant 0 : i32
    return %c0_i32, %c0_i32_0 : i32, i32
  }
  func.func @transform_28(%arg0: i32, %arg1: i32) -> (i32, i32) {
    %c0_i32 = arith.constant 0 : i32
    %c0_i32_0 = arith.constant 0 : i32
    %c0_i32_1 = arith.constant 0 : i32
    return %c0_i32, %c0_i32_0 : i32, i32
  }
  func.func @transform_29(%arg0: i32, %arg1: i32) -> (i32, i32) {
    %c0_i32 = arith.constant 0 : i32
    %c0_i32_0 = arith.constant 0 : i32
    %c0_i32_1 = arith.constant 0 : i32
    return %c0_i32, %c0_i32_0 : i32, i32
  }
  func.func @transform_30(%arg0: i32, %arg1: i32) -> (i32, i32) {
    %c0_i32 = arith.constant 0 : i32
    %c0_i32_0 = arith.constant 0 : i32
    %c0_i32_1 = arith.constant 0 : i32
    return %c0_i32, %c0_i32_0 : i32, i32
  }
  func.func @transform_31(%arg0: i32, %arg1: i32) -> (i32, i32) {
    %c0_i32 = arith.constant 0 : i32
    %c0_i32_0 = arith.constant 0 : i32
    %c0_i32_1 = arith.constant 0 : i32
    return %c0_i32, %c0_i32_0 : i32, i32
  }
  func.func @transform_32(%arg0: i32, %arg1: i32) -> (i32, i32) {
    %c0_i32 = arith.constant 0 : i32
    %c0_i32_0 = arith.constant 0 : i32
    %c0_i32_1 = arith.constant 0 : i32
    return %c0_i32, %c0_i32_0 : i32, i32
  }
  func.func @transform_33(%arg0: i32, %arg1: i32) -> (i32, i32, i32) {
    %c0_i32 = arith.constant 0 : i32
    %c0_i32_0 = arith.constant 0 : i32
    return %arg0, %arg1, %c0_i32 : i32, i32, i32
  }
  func.func @transform_34(%arg0: i32, %arg1: i32) -> (i32, i32, i32) {
    %c0_i32 = arith.constant 0 : i32
    %c0_i32_0 = arith.constant 0 : i32
    return %arg0, %arg1, %c0_i32 : i32, i32, i32
  }
  func.func @transform_35(%arg0: i32, %arg1: i32) -> (i32, i32, i32, i32) {
    %c0_i32 = arith.constant 0 : i32
    %c0_i32_0 = arith.constant 0 : i32
    %c0_i32_1 = arith.constant 0 : i32
    return %arg0, %arg1, %c0_i32, %c0_i32_0 : i32, i32, i32, i32
  }
}

</mosaic_0001>

<sc_bundles>
// kernel: gather_offload_async_start
scs
__scs_entry_jumppad:
0x0: {  	(pc) =	sbr.rel $0x88, $3  }
0x1: {  	(tag) =	ssettag $0x0;
	lr =	simm.s32 $0x1  }
0x2: {  	[smem:$0x3EAF] =	sst lr;
	_ =	strace $0xD0000000  }
0x3: {  	_ = 	snop  }
0x4: {  	_ = 	snop  }
0x5: {  	_ = 	snop  }
0x6: {  	_ = 	snop  }
0x7: {  	_ = 	snop  }
__scs_overlays_trampoline_lowered:
0x8: {  	[smem:$0x3EBE] =	sst s0  }
0x9: {  	[smem:$0x3EBF] =	sst s1  }
0xa: {  	[smem:$0x3EC0] =	sst s2  }
0xb: {  	[smem:$0x3EC1] =	sst s3  }
0xc: {  	[smem:$0x3EC2] =	sst s4  }
0xd: {  	[smem:$0x3EC3] =	sst s5  }
0xe: {  	[smem:$0x3EC4] =	sst s6  }
0xf: {  	[smem:$0x3EC5] =	sst s7  }
0x10: {  	[smem:$0x3EC6] =	sst s8  }
0x11: {  	[smem:$0x3EC7] =	sst s9;
	s0 =	simm.s32 @!p0 $0x0  }
0x12: {  	s1 =	sld [smem:$0x3EAD];
	s0 =	simm.s32 @p0 $0x1  }
0x13: {  	[smem:$0x3EC8] =	sst s0;
	s0 =	simm.s32 @!p1 $0x0  }
0x14: {  	s2 =	sld [smem:$0x3EAC];
	s0 =	simm.s32 @p1 $0x1  }
0x15: {  	[smem:$0x3EC9] =	sst s0;
	s0 =	simm.s32 @!p2 $0x0  }
0x16: {  	s3 =	sld [smem:$0x3FDB];
	s0 =	simm.s32 @p2 $0x1  }
0x17: {  	s4 =	simm.s32 $0x1BF5;
	[smem:$0x3ECB] =	sst s0  }
0x18: {  	s0 =	sld [smem:$0x3EAE];
	_ =	swait.ge [sflag:s4], $0x0  }
0x19: {  	s7 =	sld [smem:$0x3EAF]  }
0x1a: {  	s8 =	sadd.s32 $0xFFFFE003, lr  }
0x1b: {  	s9 =	sadd.s32 $0xFFFFFEF7, lr;
	s5 =	simm.s32 $0xFFFFFFFF;
	p2 =	slt.u32 s8, $0xFFFFF086  }
0x1c: {  	p1 =	slt.u32 s9, $0xF7A;
	s5 =	simm.s32 @!p2 $0x0  }
0x1d: {  	s5 =	simm.s32 @p1 $0x1;
	p0 =	seq.s32 s7, s2  }
0x1e: {  	s7 =	smul.u32 @!p0 $0xF7A, s2;
	p2 =	seq.s32 @!p0 s5, $0x0  }
0x1f: {  	s9 =	smul.u32 $0xF7A, s1;
	s8 =	simm.s32 @!p0 $0x1BF5;
	p2 =	por !p2, p0  }
0x20: {  	[sflag:s8] =	ssyncset.s32 @!p0 $0xFFFFF086;
	s6 =	sadd.s32 @!p0 s3, s7;
	s7 =	simm.s32 @!p0 $0x108  }
0x21: {  	s3 =	sadd.s32 s3, s9;
	s6 =	sadd.s32 @!p0 $0x88, s6;
	s7 =	simm.s32 @p2 $0x1082  }
0x22: {  	[simem:s7], [sflag:s8] =	dma.local @!p0 [hbm:s6], $0xF7A  }
0x23: {  	s9 =	sor.u32 $0xD0000000, s2;
	s6 =	simm.s32 $0x108;
	_ =	swait.ge @!p0 [sflag:s8], $0x0  }
0x24: {  	s3 =	sadd.s32 $0x88, s3;
	s6 =	simm.s32 @!p1 $0x1082;
	[sflag:s4] =	ssyncset.s32 $0xFFFFF086  }
0x25: {  	[simem:s6], [sflag:s4] =	dma.local [hbm:s3], $0xF7A  }
0x26: {  	[smem:$0x3EAF] =	sst s1;
	(tag) =	ssettag s2;
	_ =	strace s9  }
0x27: {  	s1 =	sld [smem:$0x3EBF]  }
0x28: {  	s2 =	sld [smem:$0x3EC0]  }
0x29: {  	s4 =	sld [smem:$0x3EC2]  }
0x2a: {  	p0 =	seq.s32 s5, $0x0;
	s5 =	sld [smem:$0x3EC3]  }
0x2b: {  	s6 =	sld [smem:$0x3EC4]  }
0x2c: {  	s7 =	sld [smem:$0x3EC5]  }
0x2d: {  	s3 =	simm.s32 $0x108;
	s8 =	sld [smem:$0x3EC6]  }
0x2e: {  	s3 =	simm.s32 @!p0 $0x1082;
	s9 =	sld [smem:$0x3EC7]  }
0x2f: {  	lr =	sadd.s32 s0, s3;
	s0 =	sld [smem:$0x3EBE]  }
0x30: {  	s3 =	sld [smem:$0x3EC1]  }
0x31: {  	[smem:$0x3ECA] =	sst s10  }
0x32: {  	s10 =	sld [smem:$0x3EC8];
	_ =	sdelay $0x3  }
0x33: {  	p0 =	seq.s32 s10, $0x1;
	s10 =	sld [smem:$0x3ECA];
	_ =	sdelay $0x3  }
0x34: {  	[smem:$0x3ECA] =	sst s10  }
0x35: {  	s10 =	sld [smem:$0x3EC9];
	_ =	sdelay $0x3  }
0x36: {  	p1 =	seq.s32 s10, $0x1;
	s10 =	sld [smem:$0x3ECA];
	_ =	sdelay $0x3  }
0x37: {  	[smem:$0x3ECA] =	sst s10  }
0x38: {  	s10 =	sld [smem:$0x3ECB]  }
0x39: {  	_ = 	snop;
	(pc) =	sbr.ind lr, $3  }
0x3a: {  	_ = 	snop  }
0x3b: {  	_ = 	snop  }
0x3c: {  	p2 =	seq.s32 s10, $0x1;
	s10 =	sld [smem:$0x3ECA]  }
0x3d: {  	_ =	shalt  }
0x3e: {  	_ =	shalt  }
0x3f: {  	_ =	shalt  }
0x40: {  	_ =	shalt  }
0x41: {  	_ =	shalt  }
0x42: {  	_ =	shalt  }
0x43: {  	_ =	shalt  }
0x44: {  	_ =	shalt  }
0x45: {  	_ =	shalt  }
0x46: {  	_ =	shalt  }
0x47: {  	_ =	shalt  }
0x48: {  	_ =	shalt  }
0x49: {  	_ =	shalt  }
0x4a: {  	_ =	shalt  }
0x4b: {  	_ =	shalt  }
0x4c: {  	_ =	shalt  }
0x4d: {  	_ =	shalt  }
0x4e: {  	_ =	shalt  }
0x4f: {  	_ =	shalt  }
0x50: {  	_ =	shalt  }
0x51: {  	_ =	shalt  }
0x52: {  	_ =	shalt  }
0x53: {  	_ =	shalt  }
0x54: {  	_ =	shalt  }
0x55: {  	_ =	shalt  }
0x56: {  	_ =	shalt  }
0x57: {  	_ =	shalt  }
0x58: {  	_ =	shalt  }
0x59: {  	_ =	shalt  }
0x5a: {  	_ =	shalt  }
0x5b: {  	_ =	shalt  }
0x5c: {  	_ =	shalt  }
0x5d: {  	_ =	shalt  }
0x5e: {  	_ =	shalt  }
0x5f: {  	_ =	shalt  }
0x60: {  	_ =	shalt  }
0x61: {  	_ =	shalt  }
0x62: {  	_ =	shalt  }
0x63: {  	_ =	shalt  }
0x64: {  	_ =	shalt  }
0x65: {  	_ =	shalt  }
0x66: {  	_ =	shalt  }
0x67: {  	_ =	shalt  }
0x68: {  	_ =	shalt  }
0x69: {  	_ =	shalt  }
0x6a: {  	_ =	shalt  }
0x6b: {  	_ =	shalt  }
0x6c: {  	_ =	shalt  }
0x6d: {  	_ =	shalt  }
0x6e: {  	_ =	shalt  }
0x6f: {  	_ =	shalt  }
0x70: {  	_ =	shalt  }
0x71: {  	_ =	shalt  }
0x72: {  	_ =	shalt  }
0x73: {  	_ =	shalt  }
0x74: {  	_ =	shalt  }
0x75: {  	_ =	shalt  }
0x76: {  	_ =	shalt  }
0x77: {  	_ =	shalt  }
0x78: {  	_ =	shalt  }
0x79: {  	_ =	shalt  }
0x7a: {  	_ =	shalt  }
0x7b: {  	_ =	shalt  }
0x7c: {  	_ =	shalt  }
0x7d: {  	_ =	shalt  }
0x7e: {  	_ =	shalt  }
0x7f: {  	_ =	shalt  }
0x80: {  	_ =	shalt  }
0x81: {  	_ =	shalt  }
0x82: {  	_ =	shalt  }
0x83: {  	_ =	shalt  }
0x84: {  	_ =	shalt  }
0x85: {  	_ =	shalt  }
0x86: {  	_ =	shalt  }
0x87: {  	_ =	shalt  }
.Lfunc_end0:
.L_simem_size_0:
called_computation_lowered:
.L_overlay_start_0:
0x88: {  	s2 =	sld [smem:$0x3FD9]  }
0x89: {  	s3 =	sld [smem:$0x3FFE];
	_ =	sdelay $0x1  }
0x8a: {  	s1 =	srdreg.scid  }
0x8b: {  	s0 =	sand.u32 $0x1, s1  }
0x8c: {  	s17 =	sshll.u32 s0, $0xA;
	s2 =	sadd.s32 s3, s2  }
0x8d: {  	s2 =	sadd.s32 s2, s17  }
0x8e: {  	[smem:$0x3ED6] =	sst s2  }
0x8f: {  	_ = 	snop  }
0x90: {  	s2 =	sld [smem:$0x3FD0];
	(tm) =	ssettm $0x1  }
0x91: {  	s18 =	sld [smem:$0x3FFB];
	_ =	sdelay $0x3  }
0x92: {  	_ =	strace s18  }
0x93: {  	s3 =	sld [smem:$0x3FFC];
	_ =	sdelay $0x3  }
0x94: {  	_ =	strace s3  }
0x95: {  	s3 =	sld [smem:$0x3FFD];
	_ =	sdelay $0x3  }
0x96: {  	_ =	strace s3  }
0x97: {  	_ =	strace $0x8FFFFFFF  }
0x98: {  	s19 =	sld [smem:$0x3FDB];
	_ =	sdelay $0x1  }
0x99: {  	s4 =	simm.s32 $_scs_section_size  }
0x9a: {  	s5 =	simm.s32 $_size__tile_overlayer_lowered;
	s6 =	simm.s32 $_tile_overlayer_lowered  }
0x9b: {  	s22 =	simm.s32 $0x1BFF;
	s21 =	sshll.u32 s6, $0x1;
	s3 =	sadd.s32 s4, s19  }
0x9c: {  	s7 =	simm.s32 $0x0;
	s20 =	sshll.u32 s5, $0x1;
	s5 =	sadd.s32 s21, s3  }
0x9d: {  	[timem:s7], [sflag:s22] =	dma.local [hbm:s5], s20  }
0x9e: {  	_ =	swait.ge [sflag:s22], s20  }
0x9f: {  	s4 =	ssub.s32 $0x0, s20;
	[sflag:s22] =	ssyncset.done $0x0  }
0xa0: {  	[sflag:s22] =	ssyncadd.s32 s4;
	_ =	sdelay $0x1  }
0xa1: {  	s23 =	simm.s32 $0x1B8B  }
0xa2: {  	_ =	swait.ge [sflag:s23], $0x1  }
0xa3: {  	[sflag:s23] =	ssyncset.done $0x0  }
0xa4: {  	s25 =	simm.s32 $0x1B8E;
	s24 =	sld [smem:$0x3FFE];
	[sflag:s23] =	ssyncadd.s32 $0xFFFFFFFF  }
0xa5: {  	s26 =	simm.s32 $execute0_lowered;
	[smem:$0x3FD2] =	sst s25  }
0xa6: {  	s5 =	sshll.u32 s26, $0x1;
	_ =	strace $0x80000046;
	[dreg:$0x1] =	wrdreg $0xFFFFFFFF  }
0xa7: {  	s28 =	simm.s32 $_size_execute0_lowered;
	s3 =	sadd.s32 s3, s5;
	[dreg:$0x0] =	wrdreg $0x0  }
0xa8: {  	s5 =	sshll.u32 s28, $0x1;
	[dreg:$0x2] =	wrdreg s3  }
0xa9: {  	[dreg:$0x3] =	wrdreg s5  }
0xaa: {  	[dreg:$0x4] =	wrdreg $0xC0  }
0xab: {  	_ =	task [dreg:s7], $0x5FFFF  }
0xac: {  	[dreg:$0x1] =	wrdreg $0xFFFFFFFF  }
0xad: {  	[dreg:$0x0] =	wrdreg $0x60  }
0xae: {  	[dreg:$0x2] =	wrdreg s24  }
0xaf: {  	[dreg:$0x3] =	wrdreg s2  }
0xb0: {  	[dreg:$0x4] =	wrdreg $0x9  }
0xb1: {  	_ =	task.clear_ibuf [dreg:s7], $0x5FFFF;
	_ =	strace $0x90000046  }
0xb2: {  	s29 =	simm.s32 $0x9;
	_ =	strace $0x80000048  }
0xb3: {  	_ =	swait.ge [sflag:s29], $0x1  }
0xb4: {  	[sflag:s29] =	ssyncadd.s32 $0xFFFFFFFF  }
0xb5: {  	_ =	strace $0x90000048  }
0xb6: {  	_ =	sfence  }
0xb7: {  	s30 =	sld [smem:$0x0];
	_ =	sdelay $0x2  }
0xb8: {  	s31 =	sshll.u32 s1, $0xD;
	s1 =	sshrl.u32 s1, $0x2  }
0xb9: {  	s3 =	sand.u32 $0x4000, s31;
	s1 =	sadd.s32 s1, s30  }
0xba: {  	s0 =	sor.u32 s3, s0;
	s1 =	sshll.u32 s1, $0x11  }
0xbb: {  	s0 =	sor.u32 s1, s0  }
0xbc: {  	s0 =	sadd.s32 $0x8F2B, s0  }
0xbd: {  	[sflag:s0] =	ssyncadd.remote.s32 $0x1  }
0xbe: {  	_ =	sfence.sel $0xFFFF  }
0xbf: {  	[dreg:$0x0] =	wrdreg $0xFFFFFFFF;
	(pc) =	sbr.abs _section_cstart, $3  }
0xc0: {  	[dreg:$0x1] =	wrdreg $0xFFFFFFFF  }
0xc1: {  	_ =	task.clear_ibuf [dreg:s7], $0x2FFFF;
	_ =	strace $0x9FFFFFFF  }
0xc2: {  	(tm) =	ssettm $0x7FFFFFFF  }
0xc3: {  	_ =	shalt  }
tec
execute0_lowered:
.L_overlay_start_1:
0x0: {  	(tag) =	ssettag $0x1  }
0x1: {  	s0 =	srdreg.scid  }
0x2: {  	s1 =	sshll.u32 s0, $0x4  }
0x3: {  	s0 =	stileid.u32;
	s1 =	sand.u32 $0x10, s1  }
0x4: {  	s2 =	sor.u32 s0, s1  }
0x5: {  	s1 =	smul.u32 $0x3, s2  }
0x6: {  	s3 =	smin.u32 s2, $0x4  }
0x7: {  	s1 =	sadd.s32 s3, s1  }
0x8: {  	p0 =	slt.u32 s2, $0x4;
	s2 =	simm.s32 $0x640;
	s1 =	smul.u32 $0x190, s1  }
0x9: {  	s2 =	simm.s32 @!p0 $0x4B0  }
0xa: {  	s2 =	sadd.s32 s2, s1  }
0xb: {  	s3 =	smin.u32 s2, $0x9C40  }
0xc: {  	s7 =	ssub.s32 s3, s1  }
0xd: {  	p0 =	sgt.s32 s7, $0x0  }
0xe: {  	s7 =	simm.s32 @!p0 $0x0  }
0xf: {  	s31 =	sand.u32 $0xFFF0, s7  }
0x10: {  	s2 =	sshrl.u32 s31, $0x4  }
0x11: {  	s9 =	rddreg [dreg:$0x0];
	s2 =	smul.u32 $0xA3E, s2  }
0x12: {  	s4 =	rddreg [dreg:$0x1];
	s6 =	simm.s32 $0x1  }
0x13: {  	s11 =	simm.s32 $0x3;
	s13 =	simm.s32 $0x0;
	s8 =	sshrl.u32 s2, $0x10  }
0x14: {  	s12 =	simm.s32 $0x0;
	s5 =	sadd.s32 $0x1BA00, s9;
	s10 =	smul.u32 $0x190, s8  }
.Ltmp0:
0x15: {  	s9 =	sadd.s32 $0xB8600, s9;
	s2 =	rddreg [dreg:$0x2];
	(pc) =	sbr.rel .LBB2_1-.Ltmp0, $4  }
0x16: {  	_ =	strace $0x80000047;
	p0 =	sne.s32 s7, s10;
	s10 =	simm.s32 $0x1  }
0x17: {  	[sflag:s6] =	ssyncpa.u1 $0x0;
	s7 =	simm.s32 $0x2;
	s10 =	simm.s32 @!p0 $0x0  }
0x18: {  	[sflag:s7] =	ssyncpa.u1 $0x0;
	p0 =	por $0x0, $0x0;
	s8 =	sadd.s32 s8, s10  }
0x19: {  	vm0 =	vmmov $0xff;
	vm1 =	vcmask $0x3F20;
	[sflag:s11] =	ssyncpa.u1 $0x0;
	s11 =	smov.u32 s1;
	s10 =	sadd.s32 $0x1, s8  }
.LBB2_6:
0x1a: {  	[hbm:s17] =	stream.linear.scatter [tilespmem:s14], [sflag:$0x3], $0x400, $0x38;
	[tilespmem:$0x19320] =	vst v63  }
.LBB2_7:
0x1b: {  	s13 =	sadd.s32 $0x190, s11  }
0x1c: {  	s15 =	smov.u32 s1;
	p2 =	slt.s32 s13, s3  }
0x1d: {  	s15 =	smov.u32 @p2 s13;
	p2 =	sne.s32 s12, s10  }
.Ltmp1:
0x1e: {  	p1 =	slt.u32 s12, $0x2;
	(pc) =	sbr.rel @!p2 .LBB2_8-.Ltmp1, $4  }
0x1f: {  	s14 =	simm.s32 @!p1 $0x3  }
0x20: {  	s16 =	sadd.s32 $0x1, s12;
	_ =	swait.ge @!p1 [sflag:s14], $0xC800  }
0x21: {  	p0 =	por !p0, !p0;
	s13 =	smov.u32 s11;
	[sflag:s14] =	ssyncset.done @!p1 $0x0  }
0x22: {  	s12 =	smov.u32 s16;
	s11 =	smov.u32 s15;
	[sflag:s14] =	ssyncadd.s32 @!p1 $0xFFFF3800  }
.LBB2_1:
0x23: {  	p1 =	sge.u32 s12, s8  }
0x24: {  	s14 =	sxor.u32 @!p1 $0xFFFFFFFF, s12  }
0x25: {  	s14 =	sand.u32 @!p1 $0x1, s14  }
0x26: {  	s14 =	smul.u32 @!p1 $0x640, s14  }
0x27: {  	s31 =	sadd.s32 $0xFFFFFFFF, s12;
	s15 =	sshrl.u32 @!p1 s11, $0x3  }
0x28: {  	s16 =	sand.u32 @!p1 $0x7, s11;
	s15 =	sadd.s32 @!p1 s4, s15;
	s14 =	sshrl.u32 @!p1 s14, $0x2  }
0x29: {  	[tilespmem:s14], [sflag:$0x2] =	stream.linear.gather @!p1 [hbm4b:s15+s16], $0x190, $0x38;
	[tilespmem:$0x19320] =	vst v63  }
0x2a: {  	p1 =	sge.u32 s31, s8  }
.Ltmp2:
0x2b: {  	_ = 	snop;
	(pc) =	sbr.rel @p1 .LBB2_7-.Ltmp2, $1  }
0x2c: {  	_ =	sdelay $0x3  }
0x2d: {  	s14 =	simm.s32 $0x1  }
0x2e: {  	s14 =	simm.s32 @!p0 $0x0  }
0x2f: {  	s15 =	smul.u32 $0x640, s14  }
0x30: {  	_ =	swait.ge [sflag:s7], $0x190  }
0x31: {  	[sflag:s7] =	ssyncset.done $0x0;
	s16 =	sshrl.u32 s15, $0x2  }
0x32: {  	[sflag:s7] =	ssyncadd.s32 $0xFFFFFE70;
	s15 =	sadd.s32 $0x0, s16  }
0x33: {  	v0 =	vld.msk [tilespmem:s15+$0x0 ss:$0x1], $0xffff;
	_ =	sdelay $0x4  }
0x34: {  	vm2 =	vgt.s32 v0, $0x0  }
0x35: {  	v0 =	vnsel vm2, $0x0, v0  }
0x36: {  	v0 =	vmin.u32 v0, $0x9B77  }
0x37: {  	v0 =	vshll.u32 v0, $0x4  }
0x38: {  	s14 =	smul.u32 $0x32000, s14;
	_ =	sdelay $0x1  }
0x39: {  	s14 =	sshrl.u32 s14, $0x2  }
0x3a: {  	s14 =	sor.u32 $0x320, s14  }
0x3b: {  	[tilespmem:s14], [sflag:$0x1] =	stream.indirect_vreg.gather [hbm:s5], $0x80, v0, vm0, $0x38;
	[tilespmem:$0x19320] =	vst v63  }
0x3c: {  	s17 =	sadd.s32 $0x10, s16;
	s15 =	sadd.s32 $0x400, s14  }
0x3d: {  	[tilespmem:s15], [sflag:$0x1] =	stream.indirect_vreg.gather [hbm:s5], $0x80, v0, vm1, $0x38;
	[tilespmem:$0x19320] =	vst v63  }
0x3e: {  	s18 =	simm.s32 $0x80;
	v0 =	vld.msk [tilespmem:s17+$0x0 ss:$0x1], $0xffff;
	s17 =	smov.u32 s14  }
.LBB2_3:
0x3f: {  	p1 =	sne.s32 s18, $0x600;
	_ =	sdelay $0x4  }
0x40: {  	vm2 =	vgt.s32 v0, $0x0  }
0x41: {  	v0 =	vnsel vm2, $0x0, v0  }
0x42: {  	v0 =	vmin.u32 v0, $0x9B77  }
0x43: {  	v0 =	vshll.u32 v0, $0x4;
	_ =	sdelay $0x3  }
.Ltmp3:
0x44: {  	s19 =	sshra.s32 s18, $0x2;
	s17 =	sadd.s32 $0x800, s17;
	(pc) =	sbr.rel @p1 .LBB2_3-.Ltmp3, $4  }
0x45: {  	[tilespmem:s17], [sflag:$0x1] =	stream.indirect_vreg.gather [hbm:s5], $0x80, v0, vm0, $0x38;
	[tilespmem:$0x19320] =	vst v63  }
0x46: {  	s19 =	sadd.s32 s19, s16;
	s20 =	sadd.s32 $0x400, s17  }
0x47: {  	[tilespmem:s20], [sflag:$0x1] =	stream.indirect_vreg.gather [hbm:s5], $0x80, v0, vm1, $0x38;
	[tilespmem:$0x19320] =	vst v63  }
0x48: {  	s18 =	sadd.s32 $0x40, s18;
	v0 =	vld.msk [tilespmem:s19+$0x0 ss:$0x1], $0xffff  }
0x49: {  	_ =	sdelay $0x3  }
0x4a: {  	vm2 =	vgt.s32 v0, $0x0  }
0x4b: {  	v0 =	vnsel vm2, $0x0, v0  }
0x4c: {  	v0 =	vmin.u32 v0, $0x9B77  }
0x4d: {  	v0 =	vshll.u32 v0, $0x4;
	_ =	sdelay $0x3  }
0x4e: {  	s16 =	sadd.s32 $0x800, s17  }
0x4f: {  	[tilespmem:s16], [sflag:$0x1] =	stream.indirect_vreg.gather [hbm:s5], $0x80, v0, vm0, $0x38;
	[tilespmem:$0x19320] =	vst v63  }
0x50: {  	s16 =	sadd.s32 $0x400, s16  }
0x51: {  	[tilespmem:s16], [sflag:$0x1] =	stream.indirect_vreg.gather [hbm:s5], $0x80, v0, vm1, $0x38;
	[tilespmem:$0x19320] =	vst v63  }
0x52: {  	s13 =	sshll.u32 s13, $0x4;
	_ =	swait.ge [sflag:s6], $0xC800  }
0x53: {  	s13 =	sadd.s32 s13, s9;
	[sflag:s6] =	ssyncset.done $0x0  }
0x54: {  	s17 =	sadd.s32 $0x0, s13;
	s16 =	simm.s32 $0x80;
	[sflag:s6] =	ssyncadd.s32 $0xFFFF3800  }
.LBB2_5:
0x55: {  	[hbm:s17] =	stream.linear.scatter [tilespmem:s14], [sflag:$0x3], $0x400, $0x38;
	[tilespmem:$0x19320] =	vst v63  }
0x56: {  	s17 =	smov.u32 s16;
	s14 =	smov.u32 s15;
	p1 =	sne.s32 s16, $0x1880  }
.Ltmp4:
0x57: {  	s16 =	sadd.s32 $0x80, s16;
	(pc) =	sbr.rel @p1 .LBB2_5-.Ltmp4, $2  }
0x58: {  	_ =	sdelay $0x2  }
0x59: {  	s15 =	sadd.s32 $0x400, s15;
	s17 =	sadd.s32 s17, s13  }
.Ltmp5:
0x5a: {  	_ = 	snop;
	(pc) =	sbr.rel .LBB2_6-.Ltmp5, $1  }
0x5b: {  	_ =	sdelay $0x3  }
.LBB2_8:
0x5c: {  	_ =	sfence.sel $0x180000  }
0x5d: {  	s1 =	simm.s32 $0x2;
	[bflag:$0x0] =	sbarrier.arrive $0xFFFF  }
0x5e: {  	s30 =	simm.s32 $0x3;
	[sflag:s1] =	ssyncpa.u1 $0x1  }
0x5f: {  	s31 =	simm.s32 $0x1;
	[sflag:s30] =	ssyncpa.u1 $0x1  }
0x60: {  	[sflag:s31] =	ssyncpa.u1 $0x1  }
0x61: {  	p0 =	sne.s32 s0, $0x0;
	_ =	strace $0x90000047  }
0x62: {  	s0 =	sadd.s32 @!p0 $0x100000, s2;
	[bflag:$0x2] =	sbarrier.arrive $0xFFFF  }
0x63: {  	[sflag:s0] =	ssyncadd.tile.s32 @!p0 $0x1;
	_ =	shalt  }
.Lfunc_end2:
_tile_overlayer_lowered:
.L_overlay_start_2:
0x64: {  	(tag) =	ssettag $0x2  }
0x65: {  	s0 =	rddreg [dreg:$0x0];
	s2 =	stileid.u32  }
0x66: {  	s1 =	rddreg [dreg:$0x1];
	p0 =	sne.s32 s2, $0x0  }
0x67: {  	s3 =	rddreg [dreg:$0x2];
	[bflag:$0x3] =	sbarrier.arrive $0xFFFF;
	s2 =	simm.s32 @!p0 $0x1C01  }
0x68: {  	[timem:s3], [sflag:s2] =	dma.local @!p0 [hbm:s0], s1  }
0x69: {  	s0 =	simm.s32 @!p0 $0x1  }
0x6a: {  	_ =	swait.ge @!p0 [sflag:s0], s1  }
0x6b: {  	s1 =	ssub.s32 @!p0 $0x0, s1;
	[sflag:s0] =	ssyncset.done @!p0 $0x0  }
0x6c: {  	[sflag:s0] =	ssyncadd.s32 @!p0 s1  }
0x6d: {  	[bflag:$0x3] =	sbarrier.arrive $0xFFFF  }
0x6e: {  	_ =	shalt  }

</sc_bundles>
